<compile_context>
chip_gen: v7x
topology: tpu7x:2x2x1
jax: 0.10.2.dev20260603
libtpu: 0.0.44.dev20260713+nightly
codegen_flags: <defaults>
</compile_context>

<pallas_src>
import functools

import jax
import jax.numpy as jnp
from jax import lax
from jax.experimental import pallas as pl
from jax.experimental.pallas import tpu as pltpu
from jax.experimental.pallas import tpu_sc as plsc

_CHUNK = 64


@functools.lru_cache(maxsize=None)
def _make_gather(vocab: int, dim: int, batch: int):
    info = plsc.get_sparse_core_info()
    nw = info.num_cores * info.num_subcores
    b_per_w = batch // nw
    assert batch % (nw * _CHUNK) == 0
    n_chunks = b_per_w // _CHUNK
    main = (dim // 128) * 128
    tail = dim - main
    mesh = plsc.VectorSubcoreMesh(core_axis_name="c", subcore_axis_name="s")

    @functools.partial(
        pl.kernel,
        mesh=mesh,
        out_type=jax.ShapeDtypeStruct((batch, main + 128), jnp.float32),
        scratch_types=[
            pltpu.VMEM((b_per_w,), jnp.int32),
            pltpu.VMEM((_CHUNK, main), jnp.float32),
            pltpu.VMEM((_CHUNK, main), jnp.float32),
            pltpu.VMEM((_CHUNK, 128), jnp.float32),
            pltpu.VMEM((_CHUNK, 128), jnp.float32),
            pltpu.SemaphoreType.DMA,
            pltpu.SemaphoreType.DMA,
            pltpu.SemaphoreType.DMA,
            pltpu.SemaphoreType.DMA,
            pltpu.SemaphoreType.DMA,
            pltpu.SemaphoreType.DMA,
        ],
    )
    def gather(idx_hbm, table_hbm, tail_hbm, out_hbm, idx_v,
               main0, main1, tail0, tail1,
               gsem0, gsem1, tsem0, tsem1, ssem0, ssem1):
        wid = lax.axis_index("s") * info.num_cores + lax.axis_index("c")
        base = wid * b_per_w
        pltpu.sync_copy(idx_hbm.at[pl.ds(base, b_per_w)], idx_v)

        mains = (main0, main1)
        tails = (tail0, tail1)
        gsems = (gsem0, gsem1)
        tsems = (tsem0, tsem1)
        ssems = (ssem0, ssem1)
        gcopy = [None, None]
        tcopy = [None, None]
        scopy = [None, None, None, None]

        def start(i, b):
            ids = idx_v.at[pl.ds(i * _CHUNK, _CHUNK)]
            gcopy[b] = pltpu.async_copy(
                table_hbm.at[ids, pl.ds(0, main)], mains[b], gsems[b])
            tcopy[b] = pltpu.async_copy(tail_hbm.at[ids], tails[b], tsems[b])

        start(0, 0)
        for i in range(n_chunks):
            b = i & 1
            gcopy[b].wait()
            tcopy[b].wait()
            if i + 1 < n_chunks:
                start(i + 1, b ^ 1)
            if scopy[2 * b] is not None:
                scopy[2 * b].wait()
                scopy[2 * b + 1].wait()
            rows = pl.ds(base + i * _CHUNK, _CHUNK)
            scopy[2 * b] = pltpu.async_copy(
                mains[b], out_hbm.at[rows, pl.ds(0, main)], ssems[b])
            scopy[2 * b + 1] = pltpu.async_copy(
                tails[b], out_hbm.at[rows, pl.ds(main, 128)], ssems[b])
        for c in scopy:
            if c is not None:
                c.wait()

    return gather


def kernel(news_ids, table):
    batch = news_ids.shape[0]
    vocab, dim = table.shape
    idx32 = news_ids.astype(jnp.int32)
    main = (dim // 128) * 128
    tail_tbl = jnp.pad(table[:, main:], ((0, 0), (0, 128 - (dim - main))))
    out_wide = _make_gather(vocab, dim, batch)(idx32, table, tail_tbl)
    return out_wide[:, :dim]

# --- scband reference (transcript-rebuilt; emitter-appended) ---
"""Pipeline reference for scband-custom-news-encoder-49400713839303 (READ-ONLY COPY).

The authoritative reference and input builder live on the scoring server;
editing this copy changes nothing except your own understanding.
"""

import jax, jax.numpy as jnp
import numpy as np

VOCAB = 100000
EMBED_DIM = 300
BATCH = 16384

def setup_inputs(seed: int = 0) -> dict:
    key = jax.random.key(seed)
    k_tab, k_idx = jax.random.split(key)
    # Frozen pretrained embedding table loaded from embedding_path in the original module.
    table = jax.random.normal(k_tab, (VOCAB, EMBED_DIM), dtype=jnp.float32)
    # news_ids (strings) are mapped via news_id_to_index to integer indices; we model
    # the post-mapping integer indices directly.
    news_ids = jax.random.randint(k_idx, (BATCH,), 0, VOCAB, dtype=jnp.int64)
    return {"news_ids": news_ids, "table": table}

def reference(news_ids, table):
    # indices = [news_id_to_index[nid] for nid in news_ids]  -> already integer indices here
    embeddings = jnp.take(table, news_ids, axis=0)
    assert embeddings.shape[-1] == EMBED_DIM
    return embeddings

if __name__ == "__main__":
    import jax
    _d = setup_inputs()
    print(jax.jit(kernel)(*tuple(_d.values())))

</pallas_src>

<mosaic_0001>
#map = affine_map<(d0, d1) -> (0)>
#map1 = affine_map<(d0, d1) -> (0, 0)>
module attributes {stable_mosaic.version = 14 : i64} {
  func.func @gather(%arg0: i32, %arg1: i32, %arg2: memref<16384xi32, #tpu.memory_space<hbm>>, %arg3: memref<100000x300xf32, #tpu.memory_space<hbm>>, %arg4: memref<100000x128xf32, #tpu.memory_space<hbm>>, %arg5: memref<16384x384xf32, #tpu.memory_space<hbm>>, %arg6: memref<512xi32, #tpu.memory_space<vmem>>, %arg7: memref<64x256xf32, #tpu.memory_space<vmem>>, %arg8: memref<64x256xf32, #tpu.memory_space<vmem>>, %arg9: memref<64x128xf32, #tpu.memory_space<vmem>>, %arg10: memref<64x128xf32, #tpu.memory_space<vmem>>, %arg11: memref<!tpu.dma_semaphore, #tpu.memory_space<semaphore_mem>>, %arg12: memref<!tpu.dma_semaphore, #tpu.memory_space<semaphore_mem>>, %arg13: memref<!tpu.dma_semaphore, #tpu.memory_space<semaphore_mem>>, %arg14: memref<!tpu.dma_semaphore, #tpu.memory_space<semaphore_mem>>, %arg15: memref<!tpu.dma_semaphore, #tpu.memory_space<semaphore_mem>>, %arg16: memref<!tpu.dma_semaphore, #tpu.memory_space<semaphore_mem>>) attributes {dimension_semantics = [#tpu.dimension_semantics<core_parallel>, #tpu.dimension_semantics<subcore_parallel>], iteration_bounds = array<i64: 2, 16>, scalar_prefetch = 0 : i64, scratch_operands = 11 : i64, tpu.core_type = #tpu.core_type<sc_vector_subcore>, window_params = [{transform_indices = #map}, {transform_indices = #map1}, {transform_indices = #map1}, {transform_indices = #map1}]} {
    %mul3A = arith.constant 2 : i32
    %mul3A_0 = arith.muli %arg1, %mul3A : i32
    %add3A = arith.addi %mul3A_0, %arg0 : i32
    %mul3A_1 = arith.constant 512 : i32
    %mul3A_2 = arith.muli %add3A, %mul3A_1 : i32
    "tpu.region"() ({
      %run_scoped3A = tpu.sem_alloc : memref<!tpu.dma_semaphore, #tpu.memory_space<semaphore_mem>>
      %dma_start3A_305 = tpu.memref_slice %arg2[%mul3A_2] : memref<16384xi32, #tpu.memory_space<hbm>> -> memref<512xi32, #tpu.memory_space<hbm>>
      %dma_start3A_306 = tpu.memref_slice %arg2[%mul3A_2] : memref<16384xi32, #tpu.memory_space<hbm>> -> memref<512xi32, #tpu.memory_space<hbm>>
      tpu.enqueue_dma source(%dma_start3A_306 : memref<512xi32, #tpu.memory_space<hbm>>) target(%arg6 : memref<512xi32, #tpu.memory_space<vmem>>) target_semaphore(%run_scoped3A : memref<!tpu.dma_semaphore, #tpu.memory_space<semaphore_mem>>)
      %dma_wait3A_307 = tpu.memref_slice %arg2[%mul3A_2] : memref<16384xi32, #tpu.memory_space<hbm>> -> memref<512xi32, #tpu.memory_space<hbm>>
      %dma_wait3A_308 = tpu.memref_slice %arg2[%mul3A_2] : memref<16384xi32, #tpu.memory_space<hbm>> -> memref<512xi32, #tpu.memory_space<hbm>>
      tpu.wait_dma2 semaphore(%run_scoped3A : memref<!tpu.dma_semaphore, #tpu.memory_space<semaphore_mem>>) src(%dma_wait3A_308 : memref<512xi32, #tpu.memory_space<hbm>>) dst(%arg6 : memref<512xi32, #tpu.memory_space<vmem>>)
      tpu.yield
    }) : () -> ()
    %dma_start3A = arith.constant 0 : i32
    %dma_start3A_3 = tpu.memref_slice %arg6[%dma_start3A] : memref<512xi32, #tpu.memory_space<vmem>> -> memref<64xi32, #tpu.memory_space<vmem>>
    %dma_start3A_4 = arith.constant 0 : i32
    %dma_start3A_5 = arith.constant 0 : i32
    %dma_start3A_6 = tpu.memref_slice %arg3[%dma_start3A_4, %dma_start3A_5] : memref<100000x300xf32, #tpu.memory_space<hbm>> -> memref<100000x256xf32, #tpu.memory_space<hbm>>
    tpu.enqueue_indirect_dma source(%dma_start3A_6 : memref<100000x256xf32, #tpu.memory_space<hbm>>) target(%arg7 : memref<64x256xf32, #tpu.memory_space<vmem>>) offsets(%dma_start3A_3 : memref<64xi32, #tpu.memory_space<vmem>>) semaphore(%arg11 : memref<!tpu.dma_semaphore, #tpu.memory_space<semaphore_mem>>)
    %dma_start3A_7 = arith.constant 0 : i32
    %dma_start3A_8 = tpu.memref_slice %arg6[%dma_start3A_7] : memref<512xi32, #tpu.memory_space<vmem>> -> memref<64xi32, #tpu.memory_space<vmem>>
    %dma_start3A_9 = arith.constant 0 : i32
    %dma_start3A_10 = arith.constant 0 : i32
    %dma_start3A_11 = tpu.memref_slice %arg4[%dma_start3A_9, %dma_start3A_10] : memref<100000x128xf32, #tpu.memory_space<hbm>> -> memref<100000x128xf32, #tpu.memory_space<hbm>>
    tpu.enqueue_indirect_dma source(%dma_start3A_11 : memref<100000x128xf32, #tpu.memory_space<hbm>>) target(%arg9 : memref<64x128xf32, #tpu.memory_space<vmem>>) offsets(%dma_start3A_8 : memref<64xi32, #tpu.memory_space<vmem>>) semaphore(%arg13 : memref<!tpu.dma_semaphore, #tpu.memory_space<semaphore_mem>>)
    %dma_wait3A = arith.constant 0 : i32
    %dma_wait3A_12 = tpu.memref_slice %arg6[%dma_wait3A] : memref<512xi32, #tpu.memory_space<vmem>> -> memref<64xi32, #tpu.memory_space<vmem>>
    %dma_wait3A_13 = arith.constant 0 : i32
    %dma_wait3A_14 = arith.constant 0 : i32
    %dma_wait3A_15 = tpu.memref_slice %arg3[%dma_wait3A_13, %dma_wait3A_14] : memref<100000x300xf32, #tpu.memory_space<hbm>> -> memref<100000x256xf32, #tpu.memory_space<hbm>>
    tpu.wait_indirect_dma semaphore(%arg11 : memref<!tpu.dma_semaphore, #tpu.memory_space<semaphore_mem>>) src(%dma_wait3A_15 : memref<100000x256xf32, #tpu.memory_space<hbm>>) dst(%arg7 : memref<64x256xf32, #tpu.memory_space<vmem>>)
    %dma_wait3A_16 = arith.constant 0 : i32
    %dma_wait3A_17 = tpu.memref_slice %arg6[%dma_wait3A_16] : memref<512xi32, #tpu.memory_space<vmem>> -> memref<64xi32, #tpu.memory_space<vmem>>
    %dma_wait3A_18 = arith.constant 0 : i32
    %dma_wait3A_19 = arith.constant 0 : i32
    %dma_wait3A_20 = tpu.memref_slice %arg4[%dma_wait3A_18, %dma_wait3A_19] : memref<100000x128xf32, #tpu.memory_space<hbm>> -> memref<100000x128xf32, #tpu.memory_space<hbm>>
    tpu.wait_indirect_dma semaphore(%arg13 : memref<!tpu.dma_semaphore, #tpu.memory_space<semaphore_mem>>) src(%dma_wait3A_20 : memref<100000x128xf32, #tpu.memory_space<hbm>>) dst(%arg9 : memref<64x128xf32, #tpu.memory_space<vmem>>)
    %dma_start3A_21 = arith.constant 64 : i32
    %dma_start3A_22 = tpu.memref_slice %arg6[%dma_start3A_21] : memref<512xi32, #tpu.memory_space<vmem>> -> memref<64xi32, #tpu.memory_space<vmem>>
    %dma_start3A_23 = arith.constant 0 : i32
    %dma_start3A_24 = arith.constant 0 : i32
    %dma_start3A_25 = tpu.memref_slice %arg3[%dma_start3A_23, %dma_start3A_24] : memref<100000x300xf32, #tpu.memory_space<hbm>> -> memref<100000x256xf32, #tpu.memory_space<hbm>>
    tpu.enqueue_indirect_dma source(%dma_start3A_25 : memref<100000x256xf32, #tpu.memory_space<hbm>>) target(%arg8 : memref<64x256xf32, #tpu.memory_space<vmem>>) offsets(%dma_start3A_22 : memref<64xi32, #tpu.memory_space<vmem>>) semaphore(%arg12 : memref<!tpu.dma_semaphore, #tpu.memory_space<semaphore_mem>>)
    %dma_start3A_26 = arith.constant 64 : i32
    %dma_start3A_27 = tpu.memref_slice %arg6[%dma_start3A_26] : memref<512xi32, #tpu.memory_space<vmem>> -> memref<64xi32, #tpu.memory_space<vmem>>
    %dma_start3A_28 = arith.constant 0 : i32
    %dma_start3A_29 = arith.constant 0 : i32
    %dma_start3A_30 = tpu.memref_slice %arg4[%dma_start3A_28, %dma_start3A_29] : memref<100000x128xf32, #tpu.memory_space<hbm>> -> memref<100000x128xf32, #tpu.memory_space<hbm>>
    tpu.enqueue_indirect_dma source(%dma_start3A_30 : memref<100000x128xf32, #tpu.memory_space<hbm>>) target(%arg10 : memref<64x128xf32, #tpu.memory_space<vmem>>) offsets(%dma_start3A_27 : memref<64xi32, #tpu.memory_space<vmem>>) semaphore(%arg14 : memref<!tpu.dma_semaphore, #tpu.memory_space<semaphore_mem>>)
    %add3A_31 = arith.constant 0 : i32
    %add3A_32 = arith.addi %mul3A_2, %add3A_31 : i32
    %dma_start3A_33 = arith.constant 0 : i32
    %dma_start3A_34 = tpu.memref_slice %arg5[%add3A_32, %dma_start3A_33] : memref<16384x384xf32, #tpu.memory_space<hbm>> -> memref<64x256xf32, #tpu.memory_space<hbm>>
    %dma_start3A_35 = arith.constant 0 : i32
    %dma_start3A_36 = tpu.memref_slice %arg5[%add3A_32, %dma_start3A_35] : memref<16384x384xf32, #tpu.memory_space<hbm>> -> memref<64x256xf32, #tpu.memory_space<hbm>>
    tpu.enqueue_dma source(%arg7 : memref<64x256xf32, #tpu.memory_space<vmem>>) target(%dma_start3A_36 : memref<64x256xf32, #tpu.memory_space<hbm>>) target_semaphore(%arg15 : memref<!tpu.dma_semaphore, #tpu.memory_space<semaphore_mem>>)
    %dma_start3A_37 = arith.constant 256 : i32
    %dma_start3A_38 = tpu.memref_slice %arg5[%add3A_32, %dma_start3A_37] : memref<16384x384xf32, #tpu.memory_space<hbm>> -> memref<64x128xf32, #tpu.memory_space<hbm>>
    %dma_start3A_39 = arith.constant 256 : i32
    %dma_start3A_40 = tpu.memref_slice %arg5[%add3A_32, %dma_start3A_39] : memref<16384x384xf32, #tpu.memory_space<hbm>> -> memref<64x128xf32, #tpu.memory_space<hbm>>
    tpu.enqueue_dma source(%arg9 : memref<64x128xf32, #tpu.memory_space<vmem>>) target(%dma_start3A_40 : memref<64x128xf32, #tpu.memory_space<hbm>>) target_semaphore(%arg15 : memref<!tpu.dma_semaphore, #tpu.memory_space<semaphore_mem>>)
    %dma_wait3A_41 = arith.constant 64 : i32
    %dma_wait3A_42 = tpu.memref_slice %arg6[%dma_wait3A_41] : memref<512xi32, #tpu.memory_space<vmem>> -> memref<64xi32, #tpu.memory_space<vmem>>
    %dma_wait3A_43 = arith.constant 0 : i32
    %dma_wait3A_44 = arith.constant 0 : i32
    %dma_wait3A_45 = tpu.memref_slice %arg3[%dma_wait3A_43, %dma_wait3A_44] : memref<100000x300xf32, #tpu.memory_space<hbm>> -> memref<100000x256xf32, #tpu.memory_space<hbm>>
    tpu.wait_indirect_dma semaphore(%arg12 : memref<!tpu.dma_semaphore, #tpu.memory_space<semaphore_mem>>) src(%dma_wait3A_45 : memref<100000x256xf32, #tpu.memory_space<hbm>>) dst(%arg8 : memref<64x256xf32, #tpu.memory_space<vmem>>)
    %dma_wait3A_46 = arith.constant 64 : i32
    %dma_wait3A_47 = tpu.memref_slice %arg6[%dma_wait3A_46] : memref<512xi32, #tpu.memory_space<vmem>> -> memref<64xi32, #tpu.memory_space<vmem>>
    %dma_wait3A_48 = arith.constant 0 : i32
    %dma_wait3A_49 = arith.constant 0 : i32
    %dma_wait3A_50 = tpu.memref_slice %arg4[%dma_wait3A_48, %dma_wait3A_49] : memref<100000x128xf32, #tpu.memory_space<hbm>> -> memref<100000x128xf32, #tpu.memory_space<hbm>>
    tpu.wait_indirect_dma semaphore(%arg14 : memref<!tpu.dma_semaphore, #tpu.memory_space<semaphore_mem>>) src(%dma_wait3A_50 : memref<100000x128xf32, #tpu.memory_space<hbm>>) dst(%arg10 : memref<64x128xf32, #tpu.memory_space<vmem>>)
    %dma_start3A_51 = arith.constant 128 : i32
    %dma_start3A_52 = tpu.memref_slice %arg6[%dma_start3A_51] : memref<512xi32, #tpu.memory_space<vmem>> -> memref<64xi32, #tpu.memory_space<vmem>>
    %dma_start3A_53 = arith.constant 0 : i32
    %dma_start3A_54 = arith.constant 0 : i32
    %dma_start3A_55 = tpu.memref_slice %arg3[%dma_start3A_53, %dma_start3A_54] : memref<100000x300xf32, #tpu.memory_space<hbm>> -> memref<100000x256xf32, #tpu.memory_space<hbm>>
    tpu.enqueue_indirect_dma source(%dma_start3A_55 : memref<100000x256xf32, #tpu.memory_space<hbm>>) target(%arg7 : memref<64x256xf32, #tpu.memory_space<vmem>>) offsets(%dma_start3A_52 : memref<64xi32, #tpu.memory_space<vmem>>) semaphore(%arg11 : memref<!tpu.dma_semaphore, #tpu.memory_space<semaphore_mem>>)
    %dma_start3A_56 = arith.constant 128 : i32
    %dma_start3A_57 = tpu.memref_slice %arg6[%dma_start3A_56] : memref<512xi32, #tpu.memory_space<vmem>> -> memref<64xi32, #tpu.memory_space<vmem>>
    %dma_start3A_58 = arith.constant 0 : i32
    %dma_start3A_59 = arith.constant 0 : i32
    %dma_start3A_60 = tpu.memref_slice %arg4[%dma_start3A_58, %dma_start3A_59] : memref<100000x128xf32, #tpu.memory_space<hbm>> -> memref<100000x128xf32, #tpu.memory_space<hbm>>
    tpu.enqueue_indirect_dma source(%dma_start3A_60 : memref<100000x128xf32, #tpu.memory_space<hbm>>) target(%arg9 : memref<64x128xf32, #tpu.memory_space<vmem>>) offsets(%dma_start3A_57 : memref<64xi32, #tpu.memory_space<vmem>>) semaphore(%arg13 : memref<!tpu.dma_semaphore, #tpu.memory_space<semaphore_mem>>)
    %add3A_61 = arith.constant 64 : i32
    %add3A_62 = arith.addi %mul3A_2, %add3A_61 : i32
    %dma_start3A_63 = arith.constant 0 : i32
    %dma_start3A_64 = tpu.memref_slice %arg5[%add3A_62, %dma_start3A_63] : memref<16384x384xf32, #tpu.memory_space<hbm>> -> memref<64x256xf32, #tpu.memory_space<hbm>>
    %dma_start3A_65 = arith.constant 0 : i32
    %dma_start3A_66 = tpu.memref_slice %arg5[%add3A_62, %dma_start3A_65] : memref<16384x384xf32, #tpu.memory_space<hbm>> -> memref<64x256xf32, #tpu.memory_space<hbm>>
    tpu.enqueue_dma source(%arg8 : memref<64x256xf32, #tpu.memory_space<vmem>>) target(%dma_start3A_66 : memref<64x256xf32, #tpu.memory_space<hbm>>) target_semaphore(%arg16 : memref<!tpu.dma_semaphore, #tpu.memory_space<semaphore_mem>>)
    %dma_start3A_67 = arith.constant 256 : i32
    %dma_start3A_68 = tpu.memref_slice %arg5[%add3A_62, %dma_start3A_67] : memref<16384x384xf32, #tpu.memory_space<hbm>> -> memref<64x128xf32, #tpu.memory_space<hbm>>
    %dma_start3A_69 = arith.constant 256 : i32
    %dma_start3A_70 = tpu.memref_slice %arg5[%add3A_62, %dma_start3A_69] : memref<16384x384xf32, #tpu.memory_space<hbm>> -> memref<64x128xf32, #tpu.memory_space<hbm>>
    tpu.enqueue_dma source(%arg10 : memref<64x128xf32, #tpu.memory_space<vmem>>) target(%dma_start3A_70 : memref<64x128xf32, #tpu.memory_space<hbm>>) target_semaphore(%arg16 : memref<!tpu.dma_semaphore, #tpu.memory_space<semaphore_mem>>)
    %dma_wait3A_71 = arith.constant 128 : i32
    %dma_wait3A_72 = tpu.memref_slice %arg6[%dma_wait3A_71] : memref<512xi32, #tpu.memory_space<vmem>> -> memref<64xi32, #tpu.memory_space<vmem>>
    %dma_wait3A_73 = arith.constant 0 : i32
    %dma_wait3A_74 = arith.constant 0 : i32
    %dma_wait3A_75 = tpu.memref_slice %arg3[%dma_wait3A_73, %dma_wait3A_74] : memref<100000x300xf32, #tpu.memory_space<hbm>> -> memref<100000x256xf32, #tpu.memory_space<hbm>>
    tpu.wait_indirect_dma semaphore(%arg11 : memref<!tpu.dma_semaphore, #tpu.memory_space<semaphore_mem>>) src(%dma_wait3A_75 : memref<100000x256xf32, #tpu.memory_space<hbm>>) dst(%arg7 : memref<64x256xf32, #tpu.memory_space<vmem>>)
    %dma_wait3A_76 = arith.constant 128 : i32
    %dma_wait3A_77 = tpu.memref_slice %arg6[%dma_wait3A_76] : memref<512xi32, #tpu.memory_space<vmem>> -> memref<64xi32, #tpu.memory_space<vmem>>
    %dma_wait3A_78 = arith.constant 0 : i32
    %dma_wait3A_79 = arith.constant 0 : i32
    %dma_wait3A_80 = tpu.memref_slice %arg4[%dma_wait3A_78, %dma_wait3A_79] : memref<100000x128xf32, #tpu.memory_space<hbm>> -> memref<100000x128xf32, #tpu.memory_space<hbm>>
    tpu.wait_indirect_dma semaphore(%arg13 : memref<!tpu.dma_semaphore, #tpu.memory_space<semaphore_mem>>) src(%dma_wait3A_80 : memref<100000x128xf32, #tpu.memory_space<hbm>>) dst(%arg9 : memref<64x128xf32, #tpu.memory_space<vmem>>)
    %dma_start3A_81 = arith.constant 192 : i32
    %dma_start3A_82 = tpu.memref_slice %arg6[%dma_start3A_81] : memref<512xi32, #tpu.memory_space<vmem>> -> memref<64xi32, #tpu.memory_space<vmem>>
    %dma_start3A_83 = arith.constant 0 : i32
    %dma_start3A_84 = arith.constant 0 : i32
    %dma_start3A_85 = tpu.memref_slice %arg3[%dma_start3A_83, %dma_start3A_84] : memref<100000x300xf32, #tpu.memory_space<hbm>> -> memref<100000x256xf32, #tpu.memory_space<hbm>>
    tpu.enqueue_indirect_dma source(%dma_start3A_85 : memref<100000x256xf32, #tpu.memory_space<hbm>>) target(%arg8 : memref<64x256xf32, #tpu.memory_space<vmem>>) offsets(%dma_start3A_82 : memref<64xi32, #tpu.memory_space<vmem>>) semaphore(%arg12 : memref<!tpu.dma_semaphore, #tpu.memory_space<semaphore_mem>>)
    %dma_start3A_86 = arith.constant 192 : i32
    %dma_start3A_87 = tpu.memref_slice %arg6[%dma_start3A_86] : memref<512xi32, #tpu.memory_space<vmem>> -> memref<64xi32, #tpu.memory_space<vmem>>
    %dma_start3A_88 = arith.constant 0 : i32
    %dma_start3A_89 = arith.constant 0 : i32
    %dma_start3A_90 = tpu.memref_slice %arg4[%dma_start3A_88, %dma_start3A_89] : memref<100000x128xf32, #tpu.memory_space<hbm>> -> memref<100000x128xf32, #tpu.memory_space<hbm>>
    tpu.enqueue_indirect_dma source(%dma_start3A_90 : memref<100000x128xf32, #tpu.memory_space<hbm>>) target(%arg10 : memref<64x128xf32, #tpu.memory_space<vmem>>) offsets(%dma_start3A_87 : memref<64xi32, #tpu.memory_space<vmem>>) semaphore(%arg14 : memref<!tpu.dma_semaphore, #tpu.memory_space<semaphore_mem>>)
    %dma_wait3A_91 = arith.constant 0 : i32
    %dma_wait3A_92 = tpu.memref_slice %arg5[%add3A_32, %dma_wait3A_91] : memref<16384x384xf32, #tpu.memory_space<hbm>> -> memref<64x256xf32, #tpu.memory_space<hbm>>
    %dma_wait3A_93 = arith.constant 0 : i32
    %dma_wait3A_94 = tpu.memref_slice %arg5[%add3A_32, %dma_wait3A_93] : memref<16384x384xf32, #tpu.memory_space<hbm>> -> memref<64x256xf32, #tpu.memory_space<hbm>>
    tpu.wait_dma2 semaphore(%arg15 : memref<!tpu.dma_semaphore, #tpu.memory_space<semaphore_mem>>) src(%arg7 : memref<64x256xf32, #tpu.memory_space<vmem>>) dst(%dma_wait3A_94 : memref<64x256xf32, #tpu.memory_space<hbm>>)
    %dma_wait3A_95 = arith.constant 256 : i32
    %dma_wait3A_96 = tpu.memref_slice %arg5[%add3A_32, %dma_wait3A_95] : memref<16384x384xf32, #tpu.memory_space<hbm>> -> memref<64x128xf32, #tpu.memory_space<hbm>>
    %dma_wait3A_97 = arith.constant 256 : i32
    %dma_wait3A_98 = tpu.memref_slice %arg5[%add3A_32, %dma_wait3A_97] : memref<16384x384xf32, #tpu.memory_space<hbm>> -> memref<64x128xf32, #tpu.memory_space<hbm>>
    tpu.wait_dma2 semaphore(%arg15 : memref<!tpu.dma_semaphore, #tpu.memory_space<semaphore_mem>>) src(%arg9 : memref<64x128xf32, #tpu.memory_space<vmem>>) dst(%dma_wait3A_98 : memref<64x128xf32, #tpu.memory_space<hbm>>)
    %add3A_99 = arith.constant 128 : i32
    %add3A_100 = arith.addi %mul3A_2, %add3A_99 : i32
    %dma_start3A_101 = arith.constant 0 : i32
    %dma_start3A_102 = tpu.memref_slice %arg5[%add3A_100, %dma_start3A_101] : memref<16384x384xf32, #tpu.memory_space<hbm>> -> memref<64x256xf32, #tpu.memory_space<hbm>>
    %dma_start3A_103 = arith.constant 0 : i32
    %dma_start3A_104 = tpu.memref_slice %arg5[%add3A_100, %dma_start3A_103] : memref<16384x384xf32, #tpu.memory_space<hbm>> -> memref<64x256xf32, #tpu.memory_space<hbm>>
    tpu.enqueue_dma source(%arg7 : memref<64x256xf32, #tpu.memory_space<vmem>>) target(%dma_start3A_104 : memref<64x256xf32, #tpu.memory_space<hbm>>) target_semaphore(%arg15 : memref<!tpu.dma_semaphore, #tpu.memory_space<semaphore_mem>>)
    %dma_start3A_105 = arith.constant 256 : i32
    %dma_start3A_106 = tpu.memref_slice %arg5[%add3A_100, %dma_start3A_105] : memref<16384x384xf32, #tpu.memory_space<hbm>> -> memref<64x128xf32, #tpu.memory_space<hbm>>
    %dma_start3A_107 = arith.constant 256 : i32
    %dma_start3A_108 = tpu.memref_slice %arg5[%add3A_100, %dma_start3A_107] : memref<16384x384xf32, #tpu.memory_space<hbm>> -> memref<64x128xf32, #tpu.memory_space<hbm>>
    tpu.enqueue_dma source(%arg9 : memref<64x128xf32, #tpu.memory_space<vmem>>) target(%dma_start3A_108 : memref<64x128xf32, #tpu.memory_space<hbm>>) target_semaphore(%arg15 : memref<!tpu.dma_semaphore, #tpu.memory_space<semaphore_mem>>)
    %dma_wait3A_109 = arith.constant 192 : i32
    %dma_wait3A_110 = tpu.memref_slice %arg6[%dma_wait3A_109] : memref<512xi32, #tpu.memory_space<vmem>> -> memref<64xi32, #tpu.memory_space<vmem>>
    %dma_wait3A_111 = arith.constant 0 : i32
    %dma_wait3A_112 = arith.constant 0 : i32
    %dma_wait3A_113 = tpu.memref_slice %arg3[%dma_wait3A_111, %dma_wait3A_112] : memref<100000x300xf32, #tpu.memory_space<hbm>> -> memref<100000x256xf32, #tpu.memory_space<hbm>>
    tpu.wait_indirect_dma semaphore(%arg12 : memref<!tpu.dma_semaphore, #tpu.memory_space<semaphore_mem>>) src(%dma_wait3A_113 : memref<100000x256xf32, #tpu.memory_space<hbm>>) dst(%arg8 : memref<64x256xf32, #tpu.memory_space<vmem>>)
    %dma_wait3A_114 = arith.constant 192 : i32
    %dma_wait3A_115 = tpu.memref_slice %arg6[%dma_wait3A_114] : memref<512xi32, #tpu.memory_space<vmem>> -> memref<64xi32, #tpu.memory_space<vmem>>
    %dma_wait3A_116 = arith.constant 0 : i32
    %dma_wait3A_117 = arith.constant 0 : i32
    %dma_wait3A_118 = tpu.memref_slice %arg4[%dma_wait3A_116, %dma_wait3A_117] : memref<100000x128xf32, #tpu.memory_space<hbm>> -> memref<100000x128xf32, #tpu.memory_space<hbm>>
    tpu.wait_indirect_dma semaphore(%arg14 : memref<!tpu.dma_semaphore, #tpu.memory_space<semaphore_mem>>) src(%dma_wait3A_118 : memref<100000x128xf32, #tpu.memory_space<hbm>>) dst(%arg10 : memref<64x128xf32, #tpu.memory_space<vmem>>)
    %dma_start3A_119 = arith.constant 256 : i32
    %dma_start3A_120 = tpu.memref_slice %arg6[%dma_start3A_119] : memref<512xi32, #tpu.memory_space<vmem>> -> memref<64xi32, #tpu.memory_space<vmem>>
    %dma_start3A_121 = arith.constant 0 : i32
    %dma_start3A_122 = arith.constant 0 : i32
    %dma_start3A_123 = tpu.memref_slice %arg3[%dma_start3A_121, %dma_start3A_122] : memref<100000x300xf32, #tpu.memory_space<hbm>> -> memref<100000x256xf32, #tpu.memory_space<hbm>>
    tpu.enqueue_indirect_dma source(%dma_start3A_123 : memref<100000x256xf32, #tpu.memory_space<hbm>>) target(%arg7 : memref<64x256xf32, #tpu.memory_space<vmem>>) offsets(%dma_start3A_120 : memref<64xi32, #tpu.memory_space<vmem>>) semaphore(%arg11 : memref<!tpu.dma_semaphore, #tpu.memory_space<semaphore_mem>>)
    %dma_start3A_124 = arith.constant 256 : i32
    %dma_start3A_125 = tpu.memref_slice %arg6[%dma_start3A_124] : memref<512xi32, #tpu.memory_space<vmem>> -> memref<64xi32, #tpu.memory_space<vmem>>
    %dma_start3A_126 = arith.constant 0 : i32
    %dma_start3A_127 = arith.constant 0 : i32
    %dma_start3A_128 = tpu.memref_slice %arg4[%dma_start3A_126, %dma_start3A_127] : memref<100000x128xf32, #tpu.memory_space<hbm>> -> memref<100000x128xf32, #tpu.memory_space<hbm>>
    tpu.enqueue_indirect_dma source(%dma_start3A_128 : memref<100000x128xf32, #tpu.memory_space<hbm>>) target(%arg9 : memref<64x128xf32, #tpu.memory_space<vmem>>) offsets(%dma_start3A_125 : memref<64xi32, #tpu.memory_space<vmem>>) semaphore(%arg13 : memref<!tpu.dma_semaphore, #tpu.memory_space<semaphore_mem>>)
    %dma_wait3A_129 = arith.constant 0 : i32
    %dma_wait3A_130 = tpu.memref_slice %arg5[%add3A_62, %dma_wait3A_129] : memref<16384x384xf32, #tpu.memory_space<hbm>> -> memref<64x256xf32, #tpu.memory_space<hbm>>
    %dma_wait3A_131 = arith.constant 0 : i32
    %dma_wait3A_132 = tpu.memref_slice %arg5[%add3A_62, %dma_wait3A_131] : memref<16384x384xf32, #tpu.memory_space<hbm>> -> memref<64x256xf32, #tpu.memory_space<hbm>>
    tpu.wait_dma2 semaphore(%arg16 : memref<!tpu.dma_semaphore, #tpu.memory_space<semaphore_mem>>) src(%arg8 : memref<64x256xf32, #tpu.memory_space<vmem>>) dst(%dma_wait3A_132 : memref<64x256xf32, #tpu.memory_space<hbm>>)
    %dma_wait3A_133 = arith.constant 256 : i32
    %dma_wait3A_134 = tpu.memref_slice %arg5[%add3A_62, %dma_wait3A_133] : memref<16384x384xf32, #tpu.memory_space<hbm>> -> memref<64x128xf32, #tpu.memory_space<hbm>>
    %dma_wait3A_135 = arith.constant 256 : i32
    %dma_wait3A_136 = tpu.memref_slice %arg5[%add3A_62, %dma_wait3A_135] : memref<16384x384xf32, #tpu.memory_space<hbm>> -> memref<64x128xf32, #tpu.memory_space<hbm>>
    tpu.wait_dma2 semaphore(%arg16 : memref<!tpu.dma_semaphore, #tpu.memory_space<semaphore_mem>>) src(%arg10 : memref<64x128xf32, #tpu.memory_space<vmem>>) dst(%dma_wait3A_136 : memref<64x128xf32, #tpu.memory_space<hbm>>)
    %add3A_137 = arith.constant 192 : i32
    %add3A_138 = arith.addi %mul3A_2, %add3A_137 : i32
    %dma_start3A_139 = arith.constant 0 : i32
    %dma_start3A_140 = tpu.memref_slice %arg5[%add3A_138, %dma_start3A_139] : memref<16384x384xf32, #tpu.memory_space<hbm>> -> memref<64x256xf32, #tpu.memory_space<hbm>>
    %dma_start3A_141 = arith.constant 0 : i32
    %dma_start3A_142 = tpu.memref_slice %arg5[%add3A_138, %dma_start3A_141] : memref<16384x384xf32, #tpu.memory_space<hbm>> -> memref<64x256xf32, #tpu.memory_space<hbm>>
    tpu.enqueue_dma source(%arg8 : memref<64x256xf32, #tpu.memory_space<vmem>>) target(%dma_start3A_142 : memref<64x256xf32, #tpu.memory_space<hbm>>) target_semaphore(%arg16 : memref<!tpu.dma_semaphore, #tpu.memory_space<semaphore_mem>>)
    %dma_start3A_143 = arith.constant 256 : i32
    %dma_start3A_144 = tpu.memref_slice %arg5[%add3A_138, %dma_start3A_143] : memref<16384x384xf32, #tpu.memory_space<hbm>> -> memref<64x128xf32, #tpu.memory_space<hbm>>
    %dma_start3A_145 = arith.constant 256 : i32
    %dma_start3A_146 = tpu.memref_slice %arg5[%add3A_138, %dma_start3A_145] : memref<16384x384xf32, #tpu.memory_space<hbm>> -> memref<64x128xf32, #tpu.memory_space<hbm>>
    tpu.enqueue_dma source(%arg10 : memref<64x128xf32, #tpu.memory_space<vmem>>) target(%dma_start3A_146 : memref<64x128xf32, #tpu.memory_space<hbm>>) target_semaphore(%arg16 : memref<!tpu.dma_semaphore, #tpu.memory_space<semaphore_mem>>)
    %dma_wait3A_147 = arith.constant 256 : i32
    %dma_wait3A_148 = tpu.memref_slice %arg6[%dma_wait3A_147] : memref<512xi32, #tpu.memory_space<vmem>> -> memref<64xi32, #tpu.memory_space<vmem>>
    %dma_wait3A_149 = arith.constant 0 : i32
    %dma_wait3A_150 = arith.constant 0 : i32
    %dma_wait3A_151 = tpu.memref_slice %arg3[%dma_wait3A_149, %dma_wait3A_150] : memref<100000x300xf32, #tpu.memory_space<hbm>> -> memref<100000x256xf32, #tpu.memory_space<hbm>>
    tpu.wait_indirect_dma semaphore(%arg11 : memref<!tpu.dma_semaphore, #tpu.memory_space<semaphore_mem>>) src(%dma_wait3A_151 : memref<100000x256xf32, #tpu.memory_space<hbm>>) dst(%arg7 : memref<64x256xf32, #tpu.memory_space<vmem>>)
    %dma_wait3A_152 = arith.constant 256 : i32
    %dma_wait3A_153 = tpu.memref_slice %arg6[%dma_wait3A_152] : memref<512xi32, #tpu.memory_space<vmem>> -> memref<64xi32, #tpu.memory_space<vmem>>
    %dma_wait3A_154 = arith.constant 0 : i32
    %dma_wait3A_155 = arith.constant 0 : i32
    %dma_wait3A_156 = tpu.memref_slice %arg4[%dma_wait3A_154, %dma_wait3A_155] : memref<100000x128xf32, #tpu.memory_space<hbm>> -> memref<100000x128xf32, #tpu.memory_space<hbm>>
    tpu.wait_indirect_dma semaphore(%arg13 : memref<!tpu.dma_semaphore, #tpu.memory_space<semaphore_mem>>) src(%dma_wait3A_156 : memref<100000x128xf32, #tpu.memory_space<hbm>>) dst(%arg9 : memref<64x128xf32, #tpu.memory_space<vmem>>)
    %dma_start3A_157 = arith.constant 320 : i32
    %dma_start3A_158 = tpu.memref_slice %arg6[%dma_start3A_157] : memref<512xi32, #tpu.memory_space<vmem>> -> memref<64xi32, #tpu.memory_space<vmem>>
    %dma_start3A_159 = arith.constant 0 : i32
    %dma_start3A_160 = arith.constant 0 : i32
    %dma_start3A_161 = tpu.memref_slice %arg3[%dma_start3A_159, %dma_start3A_160] : memref<100000x300xf32, #tpu.memory_space<hbm>> -> memref<100000x256xf32, #tpu.memory_space<hbm>>
    tpu.enqueue_indirect_dma source(%dma_start3A_161 : memref<100000x256xf32, #tpu.memory_space<hbm>>) target(%arg8 : memref<64x256xf32, #tpu.memory_space<vmem>>) offsets(%dma_start3A_158 : memref<64xi32, #tpu.memory_space<vmem>>) semaphore(%arg12 : memref<!tpu.dma_semaphore, #tpu.memory_space<semaphore_mem>>)
    %dma_start3A_162 = arith.constant 320 : i32
    %dma_start3A_163 = tpu.memref_slice %arg6[%dma_start3A_162] : memref<512xi32, #tpu.memory_space<vmem>> -> memref<64xi32, #tpu.memory_space<vmem>>
    %dma_start3A_164 = arith.constant 0 : i32
    %dma_start3A_165 = arith.constant 0 : i32
    %dma_start3A_166 = tpu.memref_slice %arg4[%dma_start3A_164, %dma_start3A_165] : memref<100000x128xf32, #tpu.memory_space<hbm>> -> memref<100000x128xf32, #tpu.memory_space<hbm>>
    tpu.enqueue_indirect_dma source(%dma_start3A_166 : memref<100000x128xf32, #tpu.memory_space<hbm>>) target(%arg10 : memref<64x128xf32, #tpu.memory_space<vmem>>) offsets(%dma_start3A_163 : memref<64xi32, #tpu.memory_space<vmem>>) semaphore(%arg14 : memref<!tpu.dma_semaphore, #tpu.memory_space<semaphore_mem>>)
    %dma_wait3A_167 = arith.constant 0 : i32
    %dma_wait3A_168 = tpu.memref_slice %arg5[%add3A_100, %dma_wait3A_167] : memref<16384x384xf32, #tpu.memory_space<hbm>> -> memref<64x256xf32, #tpu.memory_space<hbm>>
    %dma_wait3A_169 = arith.constant 0 : i32
    %dma_wait3A_170 = tpu.memref_slice %arg5[%add3A_100, %dma_wait3A_169] : memref<16384x384xf32, #tpu.memory_space<hbm>> -> memref<64x256xf32, #tpu.memory_space<hbm>>
    tpu.wait_dma2 semaphore(%arg15 : memref<!tpu.dma_semaphore, #tpu.memory_space<semaphore_mem>>) src(%arg7 : memref<64x256xf32, #tpu.memory_space<vmem>>) dst(%dma_wait3A_170 : memref<64x256xf32, #tpu.memory_space<hbm>>)
    %dma_wait3A_171 = arith.constant 256 : i32
    %dma_wait3A_172 = tpu.memref_slice %arg5[%add3A_100, %dma_wait3A_171] : memref<16384x384xf32, #tpu.memory_space<hbm>> -> memref<64x128xf32, #tpu.memory_space<hbm>>
    %dma_wait3A_173 = arith.constant 256 : i32
    %dma_wait3A_174 = tpu.memref_slice %arg5[%add3A_100, %dma_wait3A_173] : memref<16384x384xf32, #tpu.memory_space<hbm>> -> memref<64x128xf32, #tpu.memory_space<hbm>>
    tpu.wait_dma2 semaphore(%arg15 : memref<!tpu.dma_semaphore, #tpu.memory_space<semaphore_mem>>) src(%arg9 : memref<64x128xf32, #tpu.memory_space<vmem>>) dst(%dma_wait3A_174 : memref<64x128xf32, #tpu.memory_space<hbm>>)
    %add3A_175 = arith.constant 256 : i32
    %add3A_176 = arith.addi %mul3A_2, %add3A_175 : i32
    %dma_start3A_177 = arith.constant 0 : i32
    %dma_start3A_178 = tpu.memref_slice %arg5[%add3A_176, %dma_start3A_177] : memref<16384x384xf32, #tpu.memory_space<hbm>> -> memref<64x256xf32, #tpu.memory_space<hbm>>
    %dma_start3A_179 = arith.constant 0 : i32
    %dma_start3A_180 = tpu.memref_slice %arg5[%add3A_176, %dma_start3A_179] : memref<16384x384xf32, #tpu.memory_space<hbm>> -> memref<64x256xf32, #tpu.memory_space<hbm>>
    tpu.enqueue_dma source(%arg7 : memref<64x256xf32, #tpu.memory_space<vmem>>) target(%dma_start3A_180 : memref<64x256xf32, #tpu.memory_space<hbm>>) target_semaphore(%arg15 : memref<!tpu.dma_semaphore, #tpu.memory_space<semaphore_mem>>)
    %dma_start3A_181 = arith.constant 256 : i32
    %dma_start3A_182 = tpu.memref_slice %arg5[%add3A_176, %dma_start3A_181] : memref<16384x384xf32, #tpu.memory_space<hbm>> -> memref<64x128xf32, #tpu.memory_space<hbm>>
    %dma_start3A_183 = arith.constant 256 : i32
    %dma_start3A_184 = tpu.memref_slice %arg5[%add3A_176, %dma_start3A_183] : memref<16384x384xf32, #tpu.memory_space<hbm>> -> memref<64x128xf32, #tpu.memory_space<hbm>>
    tpu.enqueue_dma source(%arg9 : memref<64x128xf32, #tpu.memory_space<vmem>>) target(%dma_start3A_184 : memref<64x128xf32, #tpu.memory_space<hbm>>) target_semaphore(%arg15 : memref<!tpu.dma_semaphore, #tpu.memory_space<semaphore_mem>>)
    %dma_wait3A_185 = arith.constant 320 : i32
    %dma_wait3A_186 = tpu.memref_slice %arg6[%dma_wait3A_185] : memref<512xi32, #tpu.memory_space<vmem>> -> memref<64xi32, #tpu.memory_space<vmem>>
    %dma_wait3A_187 = arith.constant 0 : i32
    %dma_wait3A_188 = arith.constant 0 : i32
    %dma_wait3A_189 = tpu.memref_slice %arg3[%dma_wait3A_187, %dma_wait3A_188] : memref<100000x300xf32, #tpu.memory_space<hbm>> -> memref<100000x256xf32, #tpu.memory_space<hbm>>
    tpu.wait_indirect_dma semaphore(%arg12 : memref<!tpu.dma_semaphore, #tpu.memory_space<semaphore_mem>>) src(%dma_wait3A_189 : memref<100000x256xf32, #tpu.memory_space<hbm>>) dst(%arg8 : memref<64x256xf32, #tpu.memory_space<vmem>>)
    %dma_wait3A_190 = arith.constant 320 : i32
    %dma_wait3A_191 = tpu.memref_slice %arg6[%dma_wait3A_190] : memref<512xi32, #tpu.memory_space<vmem>> -> memref<64xi32, #tpu.memory_space<vmem>>
    %dma_wait3A_192 = arith.constant 0 : i32
    %dma_wait3A_193 = arith.constant 0 : i32
    %dma_wait3A_194 = tpu.memref_slice %arg4[%dma_wait3A_192, %dma_wait3A_193] : memref<100000x128xf32, #tpu.memory_space<hbm>> -> memref<100000x128xf32, #tpu.memory_space<hbm>>
    tpu.wait_indirect_dma semaphore(%arg14 : memref<!tpu.dma_semaphore, #tpu.memory_space<semaphore_mem>>) src(%dma_wait3A_194 : memref<100000x128xf32, #tpu.memory_space<hbm>>) dst(%arg10 : memref<64x128xf32, #tpu.memory_space<vmem>>)
    %dma_start3A_195 = arith.constant 384 : i32
    %dma_start3A_196 = tpu.memref_slice %arg6[%dma_start3A_195] : memref<512xi32, #tpu.memory_space<vmem>> -> memref<64xi32, #tpu.memory_space<vmem>>
    %dma_start3A_197 = arith.constant 0 : i32
    %dma_start3A_198 = arith.constant 0 : i32
    %dma_start3A_199 = tpu.memref_slice %arg3[%dma_start3A_197, %dma_start3A_198] : memref<100000x300xf32, #tpu.memory_space<hbm>> -> memref<100000x256xf32, #tpu.memory_space<hbm>>
    tpu.enqueue_indirect_dma source(%dma_start3A_199 : memref<100000x256xf32, #tpu.memory_space<hbm>>) target(%arg7 : memref<64x256xf32, #tpu.memory_space<vmem>>) offsets(%dma_start3A_196 : memref<64xi32, #tpu.memory_space<vmem>>) semaphore(%arg11 : memref<!tpu.dma_semaphore, #tpu.memory_space<semaphore_mem>>)
    %dma_start3A_200 = arith.constant 384 : i32
    %dma_start3A_201 = tpu.memref_slice %arg6[%dma_start3A_200] : memref<512xi32, #tpu.memory_space<vmem>> -> memref<64xi32, #tpu.memory_space<vmem>>
    %dma_start3A_202 = arith.constant 0 : i32
    %dma_start3A_203 = arith.constant 0 : i32
    %dma_start3A_204 = tpu.memref_slice %arg4[%dma_start3A_202, %dma_start3A_203] : memref<100000x128xf32, #tpu.memory_space<hbm>> -> memref<100000x128xf32, #tpu.memory_space<hbm>>
    tpu.enqueue_indirect_dma source(%dma_start3A_204 : memref<100000x128xf32, #tpu.memory_space<hbm>>) target(%arg9 : memref<64x128xf32, #tpu.memory_space<vmem>>) offsets(%dma_start3A_201 : memref<64xi32, #tpu.memory_space<vmem>>) semaphore(%arg13 : memref<!tpu.dma_semaphore, #tpu.memory_space<semaphore_mem>>)
    %dma_wait3A_205 = arith.constant 0 : i32
    %dma_wait3A_206 = tpu.memref_slice %arg5[%add3A_138, %dma_wait3A_205] : memref<16384x384xf32, #tpu.memory_space<hbm>> -> memref<64x256xf32, #tpu.memory_space<hbm>>
    %dma_wait3A_207 = arith.constant 0 : i32
    %dma_wait3A_208 = tpu.memref_slice %arg5[%add3A_138, %dma_wait3A_207] : memref<16384x384xf32, #tpu.memory_space<hbm>> -> memref<64x256xf32, #tpu.memory_space<hbm>>
    tpu.wait_dma2 semaphore(%arg16 : memref<!tpu.dma_semaphore, #tpu.memory_space<semaphore_mem>>) src(%arg8 : memref<64x256xf32, #tpu.memory_space<vmem>>) dst(%dma_wait3A_208 : memref<64x256xf32, #tpu.memory_space<hbm>>)
    %dma_wait3A_209 = arith.constant 256 : i32
    %dma_wait3A_210 = tpu.memref_slice %arg5[%add3A_138, %dma_wait3A_209] : memref<16384x384xf32, #tpu.memory_space<hbm>> -> memref<64x128xf32, #tpu.memory_space<hbm>>
    %dma_wait3A_211 = arith.constant 256 : i32
    %dma_wait3A_212 = tpu.memref_slice %arg5[%add3A_138, %dma_wait3A_211] : memref<16384x384xf32, #tpu.memory_space<hbm>> -> memref<64x128xf32, #tpu.memory_space<hbm>>
    tpu.wait_dma2 semaphore(%arg16 : memref<!tpu.dma_semaphore, #tpu.memory_space<semaphore_mem>>) src(%arg10 : memref<64x128xf32, #tpu.memory_space<vmem>>) dst(%dma_wait3A_212 : memref<64x128xf32, #tpu.memory_space<hbm>>)
    %add3A_213 = arith.constant 320 : i32
    %add3A_214 = arith.addi %mul3A_2, %add3A_213 : i32
    %dma_start3A_215 = arith.constant 0 : i32
    %dma_start3A_216 = tpu.memref_slice %arg5[%add3A_214, %dma_start3A_215] : memref<16384x384xf32, #tpu.memory_space<hbm>> -> memref<64x256xf32, #tpu.memory_space<hbm>>
    %dma_start3A_217 = arith.constant 0 : i32
    %dma_start3A_218 = tpu.memref_slice %arg5[%add3A_214, %dma_start3A_217] : memref<16384x384xf32, #tpu.memory_space<hbm>> -> memref<64x256xf32, #tpu.memory_space<hbm>>
    tpu.enqueue_dma source(%arg8 : memref<64x256xf32, #tpu.memory_space<vmem>>) target(%dma_start3A_218 : memref<64x256xf32, #tpu.memory_space<hbm>>) target_semaphore(%arg16 : memref<!tpu.dma_semaphore, #tpu.memory_space<semaphore_mem>>)
    %dma_start3A_219 = arith.constant 256 : i32
    %dma_start3A_220 = tpu.memref_slice %arg5[%add3A_214, %dma_start3A_219] : memref<16384x384xf32, #tpu.memory_space<hbm>> -> memref<64x128xf32, #tpu.memory_space<hbm>>
    %dma_start3A_221 = arith.constant 256 : i32
    %dma_start3A_222 = tpu.memref_slice %arg5[%add3A_214, %dma_start3A_221] : memref<16384x384xf32, #tpu.memory_space<hbm>> -> memref<64x128xf32, #tpu.memory_space<hbm>>
    tpu.enqueue_dma source(%arg10 : memref<64x128xf32, #tpu.memory_space<vmem>>) target(%dma_start3A_222 : memref<64x128xf32, #tpu.memory_space<hbm>>) target_semaphore(%arg16 : memref<!tpu.dma_semaphore, #tpu.memory_space<semaphore_mem>>)
    %dma_wait3A_223 = arith.constant 384 : i32
    %dma_wait3A_224 = tpu.memref_slice %arg6[%dma_wait3A_223] : memref<512xi32, #tpu.memory_space<vmem>> -> memref<64xi32, #tpu.memory_space<vmem>>
    %dma_wait3A_225 = arith.constant 0 : i32
    %dma_wait3A_226 = arith.constant 0 : i32
    %dma_wait3A_227 = tpu.memref_slice %arg3[%dma_wait3A_225, %dma_wait3A_226] : memref<100000x300xf32, #tpu.memory_space<hbm>> -> memref<100000x256xf32, #tpu.memory_space<hbm>>
    tpu.wait_indirect_dma semaphore(%arg11 : memref<!tpu.dma_semaphore, #tpu.memory_space<semaphore_mem>>) src(%dma_wait3A_227 : memref<100000x256xf32, #tpu.memory_space<hbm>>) dst(%arg7 : memref<64x256xf32, #tpu.memory_space<vmem>>)
    %dma_wait3A_228 = arith.constant 384 : i32
    %dma_wait3A_229 = tpu.memref_slice %arg6[%dma_wait3A_228] : memref<512xi32, #tpu.memory_space<vmem>> -> memref<64xi32, #tpu.memory_space<vmem>>
    %dma_wait3A_230 = arith.constant 0 : i32
    %dma_wait3A_231 = arith.constant 0 : i32
    %dma_wait3A_232 = tpu.memref_slice %arg4[%dma_wait3A_230, %dma_wait3A_231] : memref<100000x128xf32, #tpu.memory_space<hbm>> -> memref<100000x128xf32, #tpu.memory_space<hbm>>
    tpu.wait_indirect_dma semaphore(%arg13 : memref<!tpu.dma_semaphore, #tpu.memory_space<semaphore_mem>>) src(%dma_wait3A_232 : memref<100000x128xf32, #tpu.memory_space<hbm>>) dst(%arg9 : memref<64x128xf32, #tpu.memory_space<vmem>>)
    %dma_start3A_233 = arith.constant 448 : i32
    %dma_start3A_234 = tpu.memref_slice %arg6[%dma_start3A_233] : memref<512xi32, #tpu.memory_space<vmem>> -> memref<64xi32, #tpu.memory_space<vmem>>
    %dma_start3A_235 = arith.constant 0 : i32
    %dma_start3A_236 = arith.constant 0 : i32
    %dma_start3A_237 = tpu.memref_slice %arg3[%dma_start3A_235, %dma_start3A_236] : memref<100000x300xf32, #tpu.memory_space<hbm>> -> memref<100000x256xf32, #tpu.memory_space<hbm>>
    tpu.enqueue_indirect_dma source(%dma_start3A_237 : memref<100000x256xf32, #tpu.memory_space<hbm>>) target(%arg8 : memref<64x256xf32, #tpu.memory_space<vmem>>) offsets(%dma_start3A_234 : memref<64xi32, #tpu.memory_space<vmem>>) semaphore(%arg12 : memref<!tpu.dma_semaphore, #tpu.memory_space<semaphore_mem>>)
    %dma_start3A_238 = arith.constant 448 : i32
    %dma_start3A_239 = tpu.memref_slice %arg6[%dma_start3A_238] : memref<512xi32, #tpu.memory_space<vmem>> -> memref<64xi32, #tpu.memory_space<vmem>>
    %dma_start3A_240 = arith.constant 0 : i32
    %dma_start3A_241 = arith.constant 0 : i32
    %dma_start3A_242 = tpu.memref_slice %arg4[%dma_start3A_240, %dma_start3A_241] : memref<100000x128xf32, #tpu.memory_space<hbm>> -> memref<100000x128xf32, #tpu.memory_space<hbm>>
    tpu.enqueue_indirect_dma source(%dma_start3A_242 : memref<100000x128xf32, #tpu.memory_space<hbm>>) target(%arg10 : memref<64x128xf32, #tpu.memory_space<vmem>>) offsets(%dma_start3A_239 : memref<64xi32, #tpu.memory_space<vmem>>) semaphore(%arg14 : memref<!tpu.dma_semaphore, #tpu.memory_space<semaphore_mem>>)
    %dma_wait3A_243 = arith.constant 0 : i32
    %dma_wait3A_244 = tpu.memref_slice %arg5[%add3A_176, %dma_wait3A_243] : memref<16384x384xf32, #tpu.memory_space<hbm>> -> memref<64x256xf32, #tpu.memory_space<hbm>>
    %dma_wait3A_245 = arith.constant 0 : i32
    %dma_wait3A_246 = tpu.memref_slice %arg5[%add3A_176, %dma_wait3A_245] : memref<16384x384xf32, #tpu.memory_space<hbm>> -> memref<64x256xf32, #tpu.memory_space<hbm>>
    tpu.wait_dma2 semaphore(%arg15 : memref<!tpu.dma_semaphore, #tpu.memory_space<semaphore_mem>>) src(%arg7 : memref<64x256xf32, #tpu.memory_space<vmem>>) dst(%dma_wait3A_246 : memref<64x256xf32, #tpu.memory_space<hbm>>)
    %dma_wait3A_247 = arith.constant 256 : i32
    %dma_wait3A_248 = tpu.memref_slice %arg5[%add3A_176, %dma_wait3A_247] : memref<16384x384xf32, #tpu.memory_space<hbm>> -> memref<64x128xf32, #tpu.memory_space<hbm>>
    %dma_wait3A_249 = arith.constant 256 : i32
    %dma_wait3A_250 = tpu.memref_slice %arg5[%add3A_176, %dma_wait3A_249] : memref<16384x384xf32, #tpu.memory_space<hbm>> -> memref<64x128xf32, #tpu.memory_space<hbm>>
    tpu.wait_dma2 semaphore(%arg15 : memref<!tpu.dma_semaphore, #tpu.memory_space<semaphore_mem>>) src(%arg9 : memref<64x128xf32, #tpu.memory_space<vmem>>) dst(%dma_wait3A_250 : memref<64x128xf32, #tpu.memory_space<hbm>>)
    %add3A_251 = arith.constant 384 : i32
    %add3A_252 = arith.addi %mul3A_2, %add3A_251 : i32
    %dma_start3A_253 = arith.constant 0 : i32
    %dma_start3A_254 = tpu.memref_slice %arg5[%add3A_252, %dma_start3A_253] : memref<16384x384xf32, #tpu.memory_space<hbm>> -> memref<64x256xf32, #tpu.memory_space<hbm>>
    %dma_start3A_255 = arith.constant 0 : i32
    %dma_start3A_256 = tpu.memref_slice %arg5[%add3A_252, %dma_start3A_255] : memref<16384x384xf32, #tpu.memory_space<hbm>> -> memref<64x256xf32, #tpu.memory_space<hbm>>
    tpu.enqueue_dma source(%arg7 : memref<64x256xf32, #tpu.memory_space<vmem>>) target(%dma_start3A_256 : memref<64x256xf32, #tpu.memory_space<hbm>>) target_semaphore(%arg15 : memref<!tpu.dma_semaphore, #tpu.memory_space<semaphore_mem>>)
    %dma_start3A_257 = arith.constant 256 : i32
    %dma_start3A_258 = tpu.memref_slice %arg5[%add3A_252, %dma_start3A_257] : memref<16384x384xf32, #tpu.memory_space<hbm>> -> memref<64x128xf32, #tpu.memory_space<hbm>>
    %dma_start3A_259 = arith.constant 256 : i32
    %dma_start3A_260 = tpu.memref_slice %arg5[%add3A_252, %dma_start3A_259] : memref<16384x384xf32, #tpu.memory_space<hbm>> -> memref<64x128xf32, #tpu.memory_space<hbm>>
    tpu.enqueue_dma source(%arg9 : memref<64x128xf32, #tpu.memory_space<vmem>>) target(%dma_start3A_260 : memref<64x128xf32, #tpu.memory_space<hbm>>) target_semaphore(%arg15 : memref<!tpu.dma_semaphore, #tpu.memory_space<semaphore_mem>>)
    %dma_wait3A_261 = arith.constant 448 : i32
    %dma_wait3A_262 = tpu.memref_slice %arg6[%dma_wait3A_261] : memref<512xi32, #tpu.memory_space<vmem>> -> memref<64xi32, #tpu.memory_space<vmem>>
    %dma_wait3A_263 = arith.constant 0 : i32
    %dma_wait3A_264 = arith.constant 0 : i32
    %dma_wait3A_265 = tpu.memref_slice %arg3[%dma_wait3A_263, %dma_wait3A_264] : memref<100000x300xf32, #tpu.memory_space<hbm>> -> memref<100000x256xf32, #tpu.memory_space<hbm>>
    tpu.wait_indirect_dma semaphore(%arg12 : memref<!tpu.dma_semaphore, #tpu.memory_space<semaphore_mem>>) src(%dma_wait3A_265 : memref<100000x256xf32, #tpu.memory_space<hbm>>) dst(%arg8 : memref<64x256xf32, #tpu.memory_space<vmem>>)
    %dma_wait3A_266 = arith.constant 448 : i32
    %dma_wait3A_267 = tpu.memref_slice %arg6[%dma_wait3A_266] : memref<512xi32, #tpu.memory_space<vmem>> -> memref<64xi32, #tpu.memory_space<vmem>>
    %dma_wait3A_268 = arith.constant 0 : i32
    %dma_wait3A_269 = arith.constant 0 : i32
    %dma_wait3A_270 = tpu.memref_slice %arg4[%dma_wait3A_268, %dma_wait3A_269] : memref<100000x128xf32, #tpu.memory_space<hbm>> -> memref<100000x128xf32, #tpu.memory_space<hbm>>
    tpu.wait_indirect_dma semaphore(%arg14 : memref<!tpu.dma_semaphore, #tpu.memory_space<semaphore_mem>>) src(%dma_wait3A_270 : memref<100000x128xf32, #tpu.memory_space<hbm>>) dst(%arg10 : memref<64x128xf32, #tpu.memory_space<vmem>>)
    %dma_wait3A_271 = arith.constant 0 : i32
    %dma_wait3A_272 = tpu.memref_slice %arg5[%add3A_214, %dma_wait3A_271] : memref<16384x384xf32, #tpu.memory_space<hbm>> -> memref<64x256xf32, #tpu.memory_space<hbm>>
    %dma_wait3A_273 = arith.constant 0 : i32
    %dma_wait3A_274 = tpu.memref_slice %arg5[%add3A_214, %dma_wait3A_273] : memref<16384x384xf32, #tpu.memory_space<hbm>> -> memref<64x256xf32, #tpu.memory_space<hbm>>
    tpu.wait_dma2 semaphore(%arg16 : memref<!tpu.dma_semaphore, #tpu.memory_space<semaphore_mem>>) src(%arg8 : memref<64x256xf32, #tpu.memory_space<vmem>>) dst(%dma_wait3A_274 : memref<64x256xf32, #tpu.memory_space<hbm>>)
    %dma_wait3A_275 = arith.constant 256 : i32
    %dma_wait3A_276 = tpu.memref_slice %arg5[%add3A_214, %dma_wait3A_275] : memref<16384x384xf32, #tpu.memory_space<hbm>> -> memref<64x128xf32, #tpu.memory_space<hbm>>
    %dma_wait3A_277 = arith.constant 256 : i32
    %dma_wait3A_278 = tpu.memref_slice %arg5[%add3A_214, %dma_wait3A_277] : memref<16384x384xf32, #tpu.memory_space<hbm>> -> memref<64x128xf32, #tpu.memory_space<hbm>>
    tpu.wait_dma2 semaphore(%arg16 : memref<!tpu.dma_semaphore, #tpu.memory_space<semaphore_mem>>) src(%arg10 : memref<64x128xf32, #tpu.memory_space<vmem>>) dst(%dma_wait3A_278 : memref<64x128xf32, #tpu.memory_space<hbm>>)
    %add3A_279 = arith.constant 448 : i32
    %add3A_280 = arith.addi %mul3A_2, %add3A_279 : i32
    %dma_start3A_281 = arith.constant 0 : i32
    %dma_start3A_282 = tpu.memref_slice %arg5[%add3A_280, %dma_start3A_281] : memref<16384x384xf32, #tpu.memory_space<hbm>> -> memref<64x256xf32, #tpu.memory_space<hbm>>
    %dma_start3A_283 = arith.constant 0 : i32
    %dma_start3A_284 = tpu.memref_slice %arg5[%add3A_280, %dma_start3A_283] : memref<16384x384xf32, #tpu.memory_space<hbm>> -> memref<64x256xf32, #tpu.memory_space<hbm>>
    tpu.enqueue_dma source(%arg8 : memref<64x256xf32, #tpu.memory_space<vmem>>) target(%dma_start3A_284 : memref<64x256xf32, #tpu.memory_space<hbm>>) target_semaphore(%arg16 : memref<!tpu.dma_semaphore, #tpu.memory_space<semaphore_mem>>)
    %dma_start3A_285 = arith.constant 256 : i32
    %dma_start3A_286 = tpu.memref_slice %arg5[%add3A_280, %dma_start3A_285] : memref<16384x384xf32, #tpu.memory_space<hbm>> -> memref<64x128xf32, #tpu.memory_space<hbm>>
    %dma_start3A_287 = arith.constant 256 : i32
    %dma_start3A_288 = tpu.memref_slice %arg5[%add3A_280, %dma_start3A_287] : memref<16384x384xf32, #tpu.memory_space<hbm>> -> memref<64x128xf32, #tpu.memory_space<hbm>>
    tpu.enqueue_dma source(%arg10 : memref<64x128xf32, #tpu.memory_space<vmem>>) target(%dma_start3A_288 : memref<64x128xf32, #tpu.memory_space<hbm>>) target_semaphore(%arg16 : memref<!tpu.dma_semaphore, #tpu.memory_space<semaphore_mem>>)
    %dma_wait3A_289 = arith.constant 0 : i32
    %dma_wait3A_290 = tpu.memref_slice %arg5[%add3A_252, %dma_wait3A_289] : memref<16384x384xf32, #tpu.memory_space<hbm>> -> memref<64x256xf32, #tpu.memory_space<hbm>>
    %dma_wait3A_291 = arith.constant 0 : i32
    %dma_wait3A_292 = tpu.memref_slice %arg5[%add3A_252, %dma_wait3A_291] : memref<16384x384xf32, #tpu.memory_space<hbm>> -> memref<64x256xf32, #tpu.memory_space<hbm>>
    tpu.wait_dma2 semaphore(%arg15 : memref<!tpu.dma_semaphore, #tpu.memory_space<semaphore_mem>>) src(%arg7 : memref<64x256xf32, #tpu.memory_space<vmem>>) dst(%dma_wait3A_292 : memref<64x256xf32, #tpu.memory_space<hbm>>)
    %dma_wait3A_293 = arith.constant 256 : i32
    %dma_wait3A_294 = tpu.memref_slice %arg5[%add3A_252, %dma_wait3A_293] : memref<16384x384xf32, #tpu.memory_space<hbm>> -> memref<64x128xf32, #tpu.memory_space<hbm>>
    %dma_wait3A_295 = arith.constant 256 : i32
    %dma_wait3A_296 = tpu.memref_slice %arg5[%add3A_252, %dma_wait3A_295] : memref<16384x384xf32, #tpu.memory_space<hbm>> -> memref<64x128xf32, #tpu.memory_space<hbm>>
    tpu.wait_dma2 semaphore(%arg15 : memref<!tpu.dma_semaphore, #tpu.memory_space<semaphore_mem>>) src(%arg9 : memref<64x128xf32, #tpu.memory_space<vmem>>) dst(%dma_wait3A_296 : memref<64x128xf32, #tpu.memory_space<hbm>>)
    %dma_wait3A_297 = arith.constant 0 : i32
    %dma_wait3A_298 = tpu.memref_slice %arg5[%add3A_280, %dma_wait3A_297] : memref<16384x384xf32, #tpu.memory_space<hbm>> -> memref<64x256xf32, #tpu.memory_space<hbm>>
    %dma_wait3A_299 = arith.constant 0 : i32
    %dma_wait3A_300 = tpu.memref_slice %arg5[%add3A_280, %dma_wait3A_299] : memref<16384x384xf32, #tpu.memory_space<hbm>> -> memref<64x256xf32, #tpu.memory_space<hbm>>
    tpu.wait_dma2 semaphore(%arg16 : memref<!tpu.dma_semaphore, #tpu.memory_space<semaphore_mem>>) src(%arg8 : memref<64x256xf32, #tpu.memory_space<vmem>>) dst(%dma_wait3A_300 : memref<64x256xf32, #tpu.memory_space<hbm>>)
    %dma_wait3A_301 = arith.constant 256 : i32
    %dma_wait3A_302 = tpu.memref_slice %arg5[%add3A_280, %dma_wait3A_301] : memref<16384x384xf32, #tpu.memory_space<hbm>> -> memref<64x128xf32, #tpu.memory_space<hbm>>
    %dma_wait3A_303 = arith.constant 256 : i32
    %dma_wait3A_304 = tpu.memref_slice %arg5[%add3A_280, %dma_wait3A_303] : memref<16384x384xf32, #tpu.memory_space<hbm>> -> memref<64x128xf32, #tpu.memory_space<hbm>>
    tpu.wait_dma2 semaphore(%arg16 : memref<!tpu.dma_semaphore, #tpu.memory_space<semaphore_mem>>) src(%arg10 : memref<64x128xf32, #tpu.memory_space<vmem>>) dst(%dma_wait3A_304 : memref<64x128xf32, #tpu.memory_space<hbm>>)
    return
  }
}

</mosaic_0001>

<sc_bundles>
// kernel: kernel.3.cloned.1.call-start
scs
__scs_entry_jumppad:
0x0: {  	(pc) =	sbr.rel $0x88, $3  }
0x1: {  	(tag) =	ssettag $0x0;
	lr =	simm.s32 $0x1  }
0x2: {  	[smem:$0x3F9F] =	sst lr;
	_ =	strace $0xD0000000  }
0x3: {  	_ = 	snop  }
0x4: {  	_ = 	snop  }
0x5: {  	_ = 	snop  }
0x6: {  	_ = 	snop  }
0x7: {  	_ = 	snop  }
__scs_overlays_trampoline_lowered:
0x8: {  	[smem:$0x3FAE] =	sst s0  }
0x9: {  	[smem:$0x3FAF] =	sst s1  }
0xa: {  	[smem:$0x3FB0] =	sst s2  }
0xb: {  	[smem:$0x3FB1] =	sst s3  }
0xc: {  	[smem:$0x3FB2] =	sst s4  }
0xd: {  	[smem:$0x3FB3] =	sst s5  }
0xe: {  	[smem:$0x3FB4] =	sst s6  }
0xf: {  	[smem:$0x3FB5] =	sst s7  }
0x10: {  	[smem:$0x3FB6] =	sst s8  }
0x11: {  	[smem:$0x3FB7] =	sst s9;
	s0 =	simm.s32 @!p0 $0x0  }
0x12: {  	s1 =	sld [smem:$0x3F9D];
	s0 =	simm.s32 @p0 $0x1  }
0x13: {  	[smem:$0x3FB8] =	sst s0;
	s0 =	simm.s32 @!p1 $0x0  }
0x14: {  	s2 =	sld [smem:$0x3F9C];
	s0 =	simm.s32 @p1 $0x1  }
0x15: {  	[smem:$0x3FB9] =	sst s0;
	s0 =	simm.s32 @!p2 $0x0  }
0x16: {  	s3 =	sld [smem:$0x3FDB];
	s0 =	simm.s32 @p2 $0x1  }
0x17: {  	s4 =	simm.s32 $0x1BF5;
	[smem:$0x3FBB] =	sst s0  }
0x18: {  	s0 =	sld [smem:$0x3F9E];
	_ =	swait.ge [sflag:s4], $0x0  }
0x19: {  	s7 =	sld [smem:$0x3F9F]  }
0x1a: {  	s8 =	sadd.s32 $0xFFFFE003, lr  }
0x1b: {  	s9 =	sadd.s32 $0xFFFFFEF7, lr;
	s5 =	simm.s32 $0xFFFFFFFF;
	p2 =	slt.u32 s8, $0xFFFFF086  }
0x1c: {  	p1 =	slt.u32 s9, $0xF7A;
	s5 =	simm.s32 @!p2 $0x0  }
0x1d: {  	s5 =	simm.s32 @p1 $0x1;
	p0 =	seq.s32 s7, s2  }
0x1e: {  	s7 =	smul.u32 @!p0 $0xF7A, s2;
	p2 =	seq.s32 @!p0 s5, $0x0  }
0x1f: {  	s9 =	smul.u32 $0xF7A, s1;
	s8 =	simm.s32 @!p0 $0x1BF5;
	p2 =	por !p2, p0  }
0x20: {  	[sflag:s8] =	ssyncset.s32 @!p0 $0xFFFFF086;
	s6 =	sadd.s32 @!p0 s3, s7;
	s7 =	simm.s32 @!p0 $0x108  }
0x21: {  	s3 =	sadd.s32 s3, s9;
	s6 =	sadd.s32 @!p0 $0x88, s6;
	s7 =	simm.s32 @p2 $0x1082  }
0x22: {  	[simem:s7], [sflag:s8] =	dma.local @!p0 [hbm:s6], $0xF7A  }
0x23: {  	s9 =	sor.u32 $0xD0000000, s2;
	s6 =	simm.s32 $0x108;
	_ =	swait.ge @!p0 [sflag:s8], $0x0  }
0x24: {  	s3 =	sadd.s32 $0x88, s3;
	s6 =	simm.s32 @!p1 $0x1082;
	[sflag:s4] =	ssyncset.s32 $0xFFFFF086  }
0x25: {  	[simem:s6], [sflag:s4] =	dma.local [hbm:s3], $0xF7A  }
0x26: {  	[smem:$0x3F9F] =	sst s1;
	(tag) =	ssettag s2;
	_ =	strace s9  }
0x27: {  	s1 =	sld [smem:$0x3FAF]  }
0x28: {  	s2 =	sld [smem:$0x3FB0]  }
0x29: {  	s4 =	sld [smem:$0x3FB2]  }
0x2a: {  	p0 =	seq.s32 s5, $0x0;
	s5 =	sld [smem:$0x3FB3]  }
0x2b: {  	s6 =	sld [smem:$0x3FB4]  }
0x2c: {  	s7 =	sld [smem:$0x3FB5]  }
0x2d: {  	s3 =	simm.s32 $0x108;
	s8 =	sld [smem:$0x3FB6]  }
0x2e: {  	s3 =	simm.s32 @!p0 $0x1082;
	s9 =	sld [smem:$0x3FB7]  }
0x2f: {  	lr =	sadd.s32 s0, s3;
	s0 =	sld [smem:$0x3FAE]  }
0x30: {  	s3 =	sld [smem:$0x3FB1]  }
0x31: {  	[smem:$0x3FBA] =	sst s10  }
0x32: {  	s10 =	sld [smem:$0x3FB8];
	_ =	sdelay $0x3  }
0x33: {  	p0 =	seq.s32 s10, $0x1;
	s10 =	sld [smem:$0x3FBA];
	_ =	sdelay $0x3  }
0x34: {  	[smem:$0x3FBA] =	sst s10  }
0x35: {  	s10 =	sld [smem:$0x3FB9];
	_ =	sdelay $0x3  }
0x36: {  	p1 =	seq.s32 s10, $0x1;
	s10 =	sld [smem:$0x3FBA];
	_ =	sdelay $0x3  }
0x37: {  	[smem:$0x3FBA] =	sst s10  }
0x38: {  	s10 =	sld [smem:$0x3FBB]  }
0x39: {  	_ = 	snop;
	(pc) =	sbr.ind lr, $3  }
0x3a: {  	_ = 	snop  }
0x3b: {  	_ = 	snop  }
0x3c: {  	p2 =	seq.s32 s10, $0x1;
	s10 =	sld [smem:$0x3FBA]  }
0x3d: {  	_ =	shalt  }
0x3e: {  	_ =	shalt  }
0x3f: {  	_ =	shalt  }
0x40: {  	_ =	shalt  }
0x41: {  	_ =	shalt  }
0x42: {  	_ =	shalt  }
0x43: {  	_ =	shalt  }
0x44: {  	_ =	shalt  }
0x45: {  	_ =	shalt  }
0x46: {  	_ =	shalt  }
0x47: {  	_ =	shalt  }
0x48: {  	_ =	shalt  }
0x49: {  	_ =	shalt  }
0x4a: {  	_ =	shalt  }
0x4b: {  	_ =	shalt  }
0x4c: {  	_ =	shalt  }
0x4d: {  	_ =	shalt  }
0x4e: {  	_ =	shalt  }
0x4f: {  	_ =	shalt  }
0x50: {  	_ =	shalt  }
0x51: {  	_ =	shalt  }
0x52: {  	_ =	shalt  }
0x53: {  	_ =	shalt  }
0x54: {  	_ =	shalt  }
0x55: {  	_ =	shalt  }
0x56: {  	_ =	shalt  }
0x57: {  	_ =	shalt  }
0x58: {  	_ =	shalt  }
0x59: {  	_ =	shalt  }
0x5a: {  	_ =	shalt  }
0x5b: {  	_ =	shalt  }
0x5c: {  	_ =	shalt  }
0x5d: {  	_ =	shalt  }
0x5e: {  	_ =	shalt  }
0x5f: {  	_ =	shalt  }
0x60: {  	_ =	shalt  }
0x61: {  	_ =	shalt  }
0x62: {  	_ =	shalt  }
0x63: {  	_ =	shalt  }
0x64: {  	_ =	shalt  }
0x65: {  	_ =	shalt  }
0x66: {  	_ =	shalt  }
0x67: {  	_ =	shalt  }
0x68: {  	_ =	shalt  }
0x69: {  	_ =	shalt  }
0x6a: {  	_ =	shalt  }
0x6b: {  	_ =	shalt  }
0x6c: {  	_ =	shalt  }
0x6d: {  	_ =	shalt  }
0x6e: {  	_ =	shalt  }
0x6f: {  	_ =	shalt  }
0x70: {  	_ =	shalt  }
0x71: {  	_ =	shalt  }
0x72: {  	_ =	shalt  }
0x73: {  	_ =	shalt  }
0x74: {  	_ =	shalt  }
0x75: {  	_ =	shalt  }
0x76: {  	_ =	shalt  }
0x77: {  	_ =	shalt  }
0x78: {  	_ =	shalt  }
0x79: {  	_ =	shalt  }
0x7a: {  	_ =	shalt  }
0x7b: {  	_ =	shalt  }
0x7c: {  	_ =	shalt  }
0x7d: {  	_ =	shalt  }
0x7e: {  	_ =	shalt  }
0x7f: {  	_ =	shalt  }
0x80: {  	_ =	shalt  }
0x81: {  	_ =	shalt  }
0x82: {  	_ =	shalt  }
0x83: {  	_ =	shalt  }
0x84: {  	_ =	shalt  }
0x85: {  	_ =	shalt  }
0x86: {  	_ =	shalt  }
0x87: {  	_ =	shalt  }
.Lfunc_end0:
.L_simem_size_0:
called_computation_lowered:
.L_overlay_start_0:
0x88: {  	s2 =	sld [smem:$0x3FD9]  }
0x89: {  	s3 =	sld [smem:$0x3FFE];
	_ =	sdelay $0x1  }
0x8a: {  	s1 =	srdreg.scid  }
0x8b: {  	s0 =	sand.u32 $0x1, s1  }
0x8c: {  	s17 =	sshll.u32 s0, $0xA;
	s2 =	sadd.s32 s3, s2  }
0x8d: {  	s2 =	sadd.s32 s2, s17  }
0x8e: {  	[smem:$0x3FC6] =	sst s2  }
0x8f: {  	_ = 	snop  }
0x90: {  	s2 =	sld [smem:$0x3FC9];
	(tm) =	ssettm $0x1  }
0x91: {  	s18 =	sld [smem:$0x3FFB];
	_ =	sdelay $0x3  }
0x92: {  	_ =	strace s18  }
0x93: {  	s3 =	sld [smem:$0x3FFC];
	_ =	sdelay $0x3  }
0x94: {  	_ =	strace s3  }
0x95: {  	s3 =	sld [smem:$0x3FFD];
	_ =	sdelay $0x3  }
0x96: {  	_ =	strace s3  }
0x97: {  	_ =	strace $0x8FFFFFFF  }
0x98: {  	s19 =	sld [smem:$0x3FDB];
	_ =	sdelay $0x1  }
0x99: {  	s4 =	simm.s32 $_scs_section_size  }
0x9a: {  	s5 =	simm.s32 $_size__tile_overlayer_lowered;
	s6 =	simm.s32 $_tile_overlayer_lowered  }
0x9b: {  	s22 =	simm.s32 $0x1BFF;
	s21 =	sshll.u32 s6, $0x1;
	s3 =	sadd.s32 s4, s19  }
0x9c: {  	s7 =	simm.s32 $0x0;
	s20 =	sshll.u32 s5, $0x1;
	s5 =	sadd.s32 s21, s3  }
0x9d: {  	[timem:s7], [sflag:s22] =	dma.local [hbm:s5], s20  }
0x9e: {  	_ =	swait.ge [sflag:s22], s20  }
0x9f: {  	s4 =	ssub.s32 $0x0, s20;
	[sflag:s22] =	ssyncset.done $0x0  }
0xa0: {  	[sflag:s22] =	ssyncadd.s32 s4;
	_ =	sdelay $0x1  }
0xa1: {  	s23 =	simm.s32 $0x1B8B  }
0xa2: {  	_ =	swait.ge [sflag:s23], $0x1  }
0xa3: {  	[sflag:s23] =	ssyncset.done $0x0  }
0xa4: {  	s25 =	simm.s32 $0x1B8E;
	s24 =	sld [smem:$0x3FFE];
	[sflag:s23] =	ssyncadd.s32 $0xFFFFFFFF  }
0xa5: {  	s26 =	simm.s32 $execute0_lowered;
	[smem:$0x3FD2] =	sst s25  }
0xa6: {  	s5 =	sshll.u32 s26, $0x1;
	_ =	strace $0x80000046;
	[dreg:$0x1] =	wrdreg $0xFFFFFFFF  }
0xa7: {  	s28 =	simm.s32 $_size_execute0_lowered;
	s3 =	sadd.s32 s3, s5;
	[dreg:$0x0] =	wrdreg $0x0  }
0xa8: {  	s5 =	sshll.u32 s28, $0x1;
	[dreg:$0x2] =	wrdreg s3  }
0xa9: {  	[dreg:$0x3] =	wrdreg s5  }
0xaa: {  	[dreg:$0x4] =	wrdreg $0xC0  }
0xab: {  	_ =	task [dreg:s7], $0x5FFFF  }
0xac: {  	[dreg:$0x1] =	wrdreg $0xFFFFFFFF  }
0xad: {  	[dreg:$0x0] =	wrdreg $0x60  }
0xae: {  	[dreg:$0x2] =	wrdreg s2  }
0xaf: {  	[dreg:$0x3] =	wrdreg s24  }
0xb0: {  	[dreg:$0x4] =	wrdreg $0x9  }
0xb1: {  	_ =	task.clear_ibuf [dreg:s7], $0x5FFFF;
	_ =	strace $0x90000046  }
0xb2: {  	s29 =	simm.s32 $0x9;
	_ =	strace $0x80000048  }
0xb3: {  	_ =	swait.ge [sflag:s29], $0x1  }
0xb4: {  	[sflag:s29] =	ssyncadd.s32 $0xFFFFFFFF  }
0xb5: {  	_ =	strace $0x90000048  }
0xb6: {  	_ =	sfence  }
0xb7: {  	s30 =	sld [smem:$0x0];
	_ =	sdelay $0x2  }
0xb8: {  	s31 =	sshll.u32 s1, $0xD;
	s1 =	sshrl.u32 s1, $0x2  }
0xb9: {  	s3 =	sand.u32 $0x4000, s31;
	s1 =	sadd.s32 s1, s30  }
0xba: {  	s0 =	sor.u32 s3, s0;
	s1 =	sshll.u32 s1, $0x11  }
0xbb: {  	s0 =	sor.u32 s1, s0  }
0xbc: {  	s0 =	sadd.s32 $0x8F2B, s0  }
0xbd: {  	[sflag:s0] =	ssyncadd.remote.s32 $0x1  }
0xbe: {  	_ =	sfence.sel $0xFFFF  }
0xbf: {  	[dreg:$0x0] =	wrdreg $0xFFFFFFFF;
	(pc) =	sbr.abs _section_cstart, $3  }
0xc0: {  	[dreg:$0x1] =	wrdreg $0xFFFFFFFF  }
0xc1: {  	_ =	task.clear_ibuf [dreg:s7], $0x2FFFF;
	_ =	strace $0x9FFFFFFF  }
0xc2: {  	(tm) =	ssettm $0x7FFFFFFF  }
0xc3: {  	_ =	shalt  }
tec
execute0_lowered:
.L_overlay_start_1:
0x0: {  	(tag) =	ssettag $0x1  }
0x1: {  	s0 =	srdreg.scid  }
0x2: {  	s1 =	stileid.u32;
	s0 =	sand.u32 $0x1, s0  }
0x3: {  	s3 =	rddreg [dreg:$0x0];
	s1 =	sshll.u32 s1, $0x7;
	s2 =	sshll.u32 s0, $0x6  }
0x4: {  	s4 =	rddreg [dreg:$0x1];
	s1 =	sor.u32 s2, s1;
	s2 =	simm.s32 $0x0  }
0x5: {  	s5 =	smul.u32 $0xC00, s1;
	[smem:$0x7FF] =	sst s2;
	s1 =	sadd.s32 s3, s1  }
0x6: {  	s21 =	simm.s32 $0x80;
	_ =	strace $0x80000047;
	[dreg:$0x3] =	wrdreg s1  }
0x7: {  	s22 =	simm.s32 $0xC0;
	[dreg:$0x14] =	wrdreg s21  }
0x8: {  	s23 =	simm.s32 $0x100;
	[dreg:$0x15] =	wrdreg s22  }
0x9: {  	s24 =	simm.s32 $0x140;
	[dreg:$0x16] =	wrdreg s23  }
0xa: {  	s25 =	simm.s32 $0x180;
	[dreg:$0x17] =	wrdreg s24;
	s5 =	sshrl.u32 s5, $0x3  }
0xb: {  	s26 =	simm.s32 $0x1C0;
	[dreg:$0x18] =	wrdreg s25;
	s5 =	sadd.s32 s5, s4  }
0xc: {  	[dreg:$0x19] =	wrdreg s26;
	s3 =	sadd.s32 $0x494200, s5  }
0xd: {  	s6 =	sadd.s32 $0x494300, s5;
	[dreg:$0x4] =	wrdreg s3  }
0xe: {  	s7 =	sadd.s32 $0x494E00, s5;
	[dreg:$0x5] =	wrdreg s6  }
0xf: {  	s8 =	sadd.s32 $0x494F00, s5;
	[dreg:$0x6] =	wrdreg s7  }
0x10: {  	s9 =	sadd.s32 $0x495A00, s5;
	[dreg:$0x7] =	wrdreg s8  }
0x11: {  	s10 =	sadd.s32 $0x495B00, s5;
	[dreg:$0x8] =	wrdreg s9  }
0x12: {  	s11 =	sadd.s32 $0x496600, s5;
	[dreg:$0x9] =	wrdreg s10  }
0x13: {  	s29 =	simm.s32 $0x800;
	s12 =	sadd.s32 $0x496700, s5;
	[dreg:$0xa] =	wrdreg s11  }
0x14: {  	s30 =	simm.s32 $0xC00;
	s13 =	sadd.s32 $0x497200, s5;
	[dreg:$0xb] =	wrdreg s12  }
0x15: {  	s31 =	simm.s32 $0x400;
	s14 =	sadd.s32 $0x497300, s5;
	[dreg:$0xc] =	wrdreg s13  }
0x16: {  	s28 =	simm.s32 $0x4200;
	s15 =	sadd.s32 $0x497E00, s5;
	[dreg:$0xd] =	wrdreg s14  }
0x17: {  	s0 =	ssub.s32 $0x2, s0;
	s16 =	sadd.s32 $0x497F00, s5;
	[dreg:$0xe] =	wrdreg s15  }
0x18: {  	s23 =	simm.s32 $0xA200;
	s17 =	sadd.s32 $0x498A00, s5;
	[dreg:$0xf] =	wrdreg s16  }
0x19: {  	s1 =	simm.s32 $0x2;
	s18 =	sadd.s32 $0x498B00, s5;
	[dreg:$0x10] =	wrdreg s17  }
0x1a: {  	s19 =	sadd.s32 $0x499600, s5;
	s20 =	sadd.s32 $0x499700, s5;
	[dreg:$0x11] =	wrdreg s18  }
0x1b: {  	s3 =	sadd.s32 $0x400, s4;
	s6 =	sshrl.u32 s0, $0x1;
	[dreg:$0x12] =	wrdreg s19  }
0x1c: {  	s4 =	sadd.s32 $0x61AC00, s4;
	[dreg:$0x13] =	wrdreg s20;
	s17 =	simm.s32 $0x1  }
0x1d: {  	v2 =	vlaneseq.u32;
	s18 =	simm.s32 $0x3;
	s8 =	simm.s32 $0x6;
	s15 =	simm.s32 $0x200  }
0x1e: {  	vm0 =	vmmov $0xffff;
	v1 =	vshrl.u32 v2, $0x3;
	s16 =	simm.s32 $0x40;
	s19 =	simm.s32 $0x8200;
	s0 =	ssub.s32 s0, s6  }
0x1f: {  	v0 =	vand.u32 $0x7, v2;
	v2 =	vor.u32 $0x8, v2;
	v1 =	vmul.u32 $0x8, v1;
	s6 =	simm.s32 $0x5;
	s5 =	smax.u32 s0, $0x1;
	s0 =	simm.s32 $0x4  }
.LBB2_1:
0x20: {  	s9 =	rddreg [dreg:$0x3];
	s14 =	simm.s32 $0x7  }
0x21: {  	[tilespmem:s2], [sflag:$0x7] =	stream.linear.gather [hbm4b:s9+s2], $0x200, $0x38;
	[tilespmem:$0xC200] =	vst v63  }
0x22: {  	_ =	swait.ge [sflag:s14], $0x200  }
0x23: {  	[sflag:s14] =	ssyncset.done $0x0  }
0x24: {  	[sflag:s14] =	ssyncadd.s32 $0xFFFFFE00  }
0x25: {  	v3 =	vld [tilespmem:$0x0];
	_ =	sdelay $0x4  }
0x26: {  	v4 =	vshrl.u32 v3, $0x3  }
0x27: {  	v4 =	vmul.u32 $0x18, v4  }
0x28: {  	v3 =	vand.u32 $0x7, v3  }
0x29: {  	v3 =	vor.u32 v3, v4  }
0x2a: {  	v4 =	vperm.xlane v3, v0;
	_ =	sdelay $0x1  }
0x2b: {  	v3 =	vperm.xlane v3, v2;
	v4 =	vadd.s32 v1, v4;
	_ =	sdelay $0x1  }
0x2c: {  	v3 =	vadd.s32 v1, v3;
	_ =	sdelay $0x2  }
0x2d: {  	[tilespmem:s15], [sflag:$0x1] =	stream.indirect_vreg.gather [hbm4b:s3+s2], $0x80, v4, vm0, $0xb8;
	[tilespmem:$0xC200] =	vst v63  }
0x2e: {  	s7 =	simm.s32 $0xA00  }
0x2f: {  	[tilespmem:s7], [sflag:$0x1] =	stream.indirect_vreg.gather [hbm4b:s3+s2], $0x80, v3, vm0, $0xb8;
	[tilespmem:$0xC200] =	vst v63  }
0x30: {  	v3 =	vld [tilespmem:$0x10];
	_ =	sdelay $0x4  }
0x31: {  	v33 =	vshrl.u32 v3, $0x3  }
0x32: {  	v4 =	vmul.u32 $0x18, v33  }
0x33: {  	v3 =	vand.u32 $0x7, v3  }
0x34: {  	v3 =	vor.u32 v3, v4  }
0x35: {  	v4 =	vperm.xlane v3, v0;
	_ =	sdelay $0x1  }
0x36: {  	v3 =	vperm.xlane v3, v2;
	v4 =	vadd.s32 v1, v4;
	_ =	sdelay $0x1  }
0x37: {  	v3 =	vadd.s32 v1, v3;
	_ =	sdelay $0x1  }
0x38: {  	s20 =	simm.s32 $0x1200  }
0x39: {  	[tilespmem:s20], [sflag:$0x1] =	stream.indirect_vreg.gather [hbm4b:s3+s2], $0x80, v4, vm0, $0xb8;
	[tilespmem:$0xC200] =	vst v63  }
0x3a: {  	s21 =	simm.s32 $0x1A00  }
0x3b: {  	[tilespmem:s21], [sflag:$0x1] =	stream.indirect_vreg.gather [hbm4b:s3+s2], $0x80, v3, vm0, $0xb8;
	[tilespmem:$0xC200] =	vst v63  }
0x3c: {  	v3 =	vld [tilespmem:$0x20];
	_ =	sdelay $0x4  }
0x3d: {  	v34 =	vshrl.u32 v3, $0x3  }
0x3e: {  	v4 =	vmul.u32 $0x18, v34  }
0x3f: {  	v3 =	vand.u32 $0x7, v3  }
0x40: {  	v3 =	vor.u32 v3, v4  }
0x41: {  	v4 =	vperm.xlane v3, v0;
	_ =	sdelay $0x1  }
0x42: {  	v3 =	vperm.xlane v3, v2;
	v4 =	vadd.s32 v1, v4;
	_ =	sdelay $0x1  }
0x43: {  	v3 =	vadd.s32 v1, v3;
	_ =	sdelay $0x1  }
0x44: {  	s22 =	simm.s32 $0x2200  }
0x45: {  	[tilespmem:s22], [sflag:$0x1] =	stream.indirect_vreg.gather [hbm4b:s3+s2], $0x80, v4, vm0, $0xb8;
	[tilespmem:$0xC200] =	vst v63  }
0x46: {  	s24 =	simm.s32 $0x2A00  }
0x47: {  	[tilespmem:s24], [sflag:$0x1] =	stream.indirect_vreg.gather [hbm4b:s3+s2], $0x80, v3, vm0, $0xb8;
	[tilespmem:$0xC200] =	vst v63  }
0x48: {  	v3 =	vld [tilespmem:$0x30];
	_ =	sdelay $0x4  }
0x49: {  	v35 =	vshrl.u32 v3, $0x3  }
0x4a: {  	v4 =	vmul.u32 $0x18, v35  }
0x4b: {  	v3 =	vand.u32 $0x7, v3  }
0x4c: {  	v3 =	vor.u32 v3, v4  }
0x4d: {  	v4 =	vperm.xlane v3, v0;
	_ =	sdelay $0x1  }
0x4e: {  	v3 =	vperm.xlane v3, v2;
	v4 =	vadd.s32 v1, v4;
	_ =	sdelay $0x1  }
0x4f: {  	v3 =	vadd.s32 v1, v3;
	_ =	sdelay $0x1  }
0x50: {  	s25 =	simm.s32 $0x3200  }
0x51: {  	[tilespmem:s25], [sflag:$0x1] =	stream.indirect_vreg.gather [hbm4b:s3+s2], $0x80, v4, vm0, $0xb8;
	[tilespmem:$0xC200] =	vst v63  }
0x52: {  	s26 =	simm.s32 $0x3A00  }
0x53: {  	[tilespmem:s26], [sflag:$0x1] =	stream.indirect_vreg.gather [hbm4b:s3+s2], $0x80, v3, vm0, $0xb8;
	[tilespmem:$0xC200] =	vst v63  }
0x54: {  	_ = 	snop  }
0x55: {  	[tilespmem:s19], [sflag:$0x3] =	stream.indirect.gather [hbm4b:s4+s16], $0x80, s2, s16, $0xb8;
	[tilespmem:$0xC200] =	vst v63  }
0x56: {  	_ =	swait.ge [sflag:s17], $0x4000  }
0x57: {  	[sflag:s17] =	ssyncset.done $0x0  }
0x58: {  	[sflag:s17] =	ssyncadd.s32 $0xFFFFC000  }
0x59: {  	_ =	swait.ge [sflag:s18], $0x2000  }
0x5a: {  	[sflag:s18] =	ssyncset.done $0x0  }
0x5b: {  	[sflag:s18] =	ssyncadd.s32 $0xFFFFE000  }
0x5c: {  	v3 =	vld [tilespmem:$0x40];
	_ =	sdelay $0x4  }
0x5d: {  	v36 =	vshrl.u32 v3, $0x3  }
0x5e: {  	v4 =	vmul.u32 $0x18, v36  }
0x5f: {  	v3 =	vand.u32 $0x7, v3  }
0x60: {  	v3 =	vor.u32 v3, v4  }
0x61: {  	v4 =	vperm.xlane v3, v0;
	_ =	sdelay $0x1  }
0x62: {  	v3 =	vperm.xlane v3, v2;
	v4 =	vadd.s32 v1, v4;
	_ =	sdelay $0x1  }
0x63: {  	v3 =	vadd.s32 v1, v3;
	_ =	sdelay $0x2  }
0x64: {  	[tilespmem:s28], [sflag:$0x2] =	stream.indirect_vreg.gather [hbm4b:s3+s2], $0x80, v4, vm0, $0xb8;
	[tilespmem:$0xC200] =	vst v63  }
0x65: {  	s9 =	simm.s32 $0x4A00  }
0x66: {  	[tilespmem:s9], [sflag:$0x2] =	stream.indirect_vreg.gather [hbm4b:s3+s2], $0x80, v3, vm0, $0xb8;
	[tilespmem:$0xC200] =	vst v63  }
0x67: {  	v3 =	vld [tilespmem:$0x50];
	_ =	sdelay $0x4  }
0x68: {  	v37 =	vshrl.u32 v3, $0x3  }
0x69: {  	v4 =	vmul.u32 $0x18, v37  }
0x6a: {  	v3 =	vand.u32 $0x7, v3  }
0x6b: {  	v3 =	vor.u32 v3, v4  }
0x6c: {  	v4 =	vperm.xlane v3, v0;
	_ =	sdelay $0x1  }
0x6d: {  	v3 =	vperm.xlane v3, v2;
	v4 =	vadd.s32 v1, v4;
	_ =	sdelay $0x1  }
0x6e: {  	v3 =	vadd.s32 v1, v3;
	_ =	sdelay $0x1  }
0x6f: {  	s10 =	simm.s32 $0x5200  }
0x70: {  	[tilespmem:s10], [sflag:$0x2] =	stream.indirect_vreg.gather [hbm4b:s3+s2], $0x80, v4, vm0, $0xb8;
	[tilespmem:$0xC200] =	vst v63  }
0x71: {  	s11 =	simm.s32 $0x5A00  }
0x72: {  	[tilespmem:s11], [sflag:$0x2] =	stream.indirect_vreg.gather [hbm4b:s3+s2], $0x80, v3, vm0, $0xb8;
	[tilespmem:$0xC200] =	vst v63  }
0x73: {  	v3 =	vld [tilespmem:$0x60];
	_ =	sdelay $0x4  }
0x74: {  	v38 =	vshrl.u32 v3, $0x3  }
0x75: {  	v4 =	vmul.u32 $0x18, v38  }
0x76: {  	v3 =	vand.u32 $0x7, v3  }
0x77: {  	v3 =	vor.u32 v3, v4  }
0x78: {  	v4 =	vperm.xlane v3, v0;
	_ =	sdelay $0x1  }
0x79: {  	v3 =	vperm.xlane v3, v2;
	v4 =	vadd.s32 v1, v4;
	_ =	sdelay $0x1  }
0x7a: {  	v3 =	vadd.s32 v1, v3;
	_ =	sdelay $0x1  }
0x7b: {  	s12 =	simm.s32 $0x6200  }
0x7c: {  	[tilespmem:s12], [sflag:$0x2] =	stream.indirect_vreg.gather [hbm4b:s3+s2], $0x80, v4, vm0, $0xb8;
	[tilespmem:$0xC200] =	vst v63  }
0x7d: {  	s13 =	simm.s32 $0x6A00  }
0x7e: {  	[tilespmem:s13], [sflag:$0x2] =	stream.indirect_vreg.gather [hbm4b:s3+s2], $0x80, v3, vm0, $0xb8;
	[tilespmem:$0xC200] =	vst v63  }
0x7f: {  	v3 =	vld [tilespmem:$0x70];
	_ =	sdelay $0x4  }
0x80: {  	v39 =	vshrl.u32 v3, $0x3  }
0x81: {  	v4 =	vmul.u32 $0x18, v39  }
0x82: {  	v3 =	vand.u32 $0x7, v3  }
0x83: {  	v3 =	vor.u32 v3, v4  }
0x84: {  	v4 =	vperm.xlane v3, v0;
	_ =	sdelay $0x1  }
0x85: {  	v3 =	vperm.xlane v3, v2;
	v4 =	vadd.s32 v1, v4;
	_ =	sdelay $0x1  }
0x86: {  	v3 =	vadd.s32 v1, v3;
	_ =	sdelay $0x1  }
0x87: {  	s14 =	simm.s32 $0x7200  }
0x88: {  	[tilespmem:s14], [sflag:$0x2] =	stream.indirect_vreg.gather [hbm4b:s3+s2], $0x80, v4, vm0, $0xb8;
	[tilespmem:$0xC200] =	vst v63  }
0x89: {  	s20 =	simm.s32 $0x7A00  }
0x8a: {  	[tilespmem:s20], [sflag:$0x2] =	stream.indirect_vreg.gather [hbm4b:s3+s2], $0x80, v3, vm0, $0xb8;
	[tilespmem:$0xC200] =	vst v63  }
0x8b: {  	_ = 	snop  }
0x8c: {  	[tilespmem:s23], [sflag:$0x4] =	stream.indirect.gather [hbm4b:s4+s16], $0x80, s16, s16, $0xb8;
	[tilespmem:$0xC200] =	vst v63  }
0x8d: {  	s21 =	rddreg [dreg:$0x4]  }
0x8e: {  	[hbm4b:s21+s29] =	stream.strided.scatter [tilespmem:s15], [sflag:$0x5], $0x4000, s30, s29, $0x38;
	[tilespmem:$0xC200] =	vst v63  }
0x8f: {  	s10 =	rddreg [dreg:$0x5]  }
0x90: {  	[hbm4b:s10+s31] =	stream.strided.scatter [tilespmem:s19], [sflag:$0x5], $0x2000, s30, s31, $0x38;
	[tilespmem:$0xC200] =	vst v63  }
0x91: {  	_ =	swait.ge [sflag:s1], $0x4000  }
0x92: {  	[sflag:s1] =	ssyncset.done $0x0  }
0x93: {  	[sflag:s1] =	ssyncadd.s32 $0xFFFFC000  }
0x94: {  	_ =	swait.ge [sflag:s0], $0x2000  }
0x95: {  	[sflag:s0] =	ssyncset.done $0x0  }
0x96: {  	[sflag:s0] =	ssyncadd.s32 $0xFFFFE000  }
0x97: {  	v3 =	vld [tilespmem:$0x80];
	_ =	sdelay $0x4  }
0x98: {  	v40 =	vshrl.u32 v3, $0x3  }
0x99: {  	v4 =	vmul.u32 $0x18, v40  }
0x9a: {  	v3 =	vand.u32 $0x7, v3  }
0x9b: {  	v3 =	vor.u32 v3, v4  }
0x9c: {  	v4 =	vperm.xlane v3, v0;
	_ =	sdelay $0x1  }
0x9d: {  	v3 =	vperm.xlane v3, v2;
	v4 =	vadd.s32 v1, v4;
	_ =	sdelay $0x1  }
0x9e: {  	v3 =	vadd.s32 v1, v3;
	_ =	sdelay $0x2  }
0x9f: {  	[tilespmem:s15], [sflag:$0x1] =	stream.indirect_vreg.gather [hbm4b:s3+s2], $0x80, v4, vm0, $0xb8;
	[tilespmem:$0xC200] =	vst v63  }
0xa0: {  	s11 =	simm.s32 $0xA00  }
0xa1: {  	[tilespmem:s11], [sflag:$0x1] =	stream.indirect_vreg.gather [hbm4b:s3+s2], $0x80, v3, vm0, $0xb8;
	[tilespmem:$0xC200] =	vst v63  }
0xa2: {  	v3 =	vld [tilespmem:$0x90];
	_ =	sdelay $0x4  }
0xa3: {  	v41 =	vshrl.u32 v3, $0x3  }
0xa4: {  	v4 =	vmul.u32 $0x18, v41  }
0xa5: {  	v3 =	vand.u32 $0x7, v3  }
0xa6: {  	v3 =	vor.u32 v3, v4  }
0xa7: {  	v4 =	vperm.xlane v3, v0;
	_ =	sdelay $0x1  }
0xa8: {  	v3 =	vperm.xlane v3, v2;
	v4 =	vadd.s32 v1, v4;
	_ =	sdelay $0x1  }
0xa9: {  	v3 =	vadd.s32 v1, v3;
	_ =	sdelay $0x1  }
0xaa: {  	s12 =	simm.s32 $0x1200  }
0xab: {  	[tilespmem:s12], [sflag:$0x1] =	stream.indirect_vreg.gather [hbm4b:s3+s2], $0x80, v4, vm0, $0xb8;
	[tilespmem:$0xC200] =	vst v63  }
0xac: {  	s13 =	simm.s32 $0x1A00  }
0xad: {  	[tilespmem:s13], [sflag:$0x1] =	stream.indirect_vreg.gather [hbm4b:s3+s2], $0x80, v3, vm0, $0xb8;
	[tilespmem:$0xC200] =	vst v63  }
0xae: {  	v3 =	vld [tilespmem:$0xA0];
	_ =	sdelay $0x4  }
0xaf: {  	v42 =	vshrl.u32 v3, $0x3  }
0xb0: {  	v4 =	vmul.u32 $0x18, v42  }
0xb1: {  	v3 =	vand.u32 $0x7, v3  }
0xb2: {  	v3 =	vor.u32 v3, v4  }
0xb3: {  	v4 =	vperm.xlane v3, v0;
	_ =	sdelay $0x1  }
0xb4: {  	v3 =	vperm.xlane v3, v2;
	v4 =	vadd.s32 v1, v4;
	_ =	sdelay $0x1  }
0xb5: {  	v3 =	vadd.s32 v1, v3;
	_ =	sdelay $0x1  }
0xb6: {  	s14 =	simm.s32 $0x2200  }
0xb7: {  	[tilespmem:s14], [sflag:$0x1] =	stream.indirect_vreg.gather [hbm4b:s3+s2], $0x80, v4, vm0, $0xb8;
	[tilespmem:$0xC200] =	vst v63  }
0xb8: {  	s20 =	simm.s32 $0x2A00  }
0xb9: {  	[tilespmem:s20], [sflag:$0x1] =	stream.indirect_vreg.gather [hbm4b:s3+s2], $0x80, v3, vm0, $0xb8;
	[tilespmem:$0xC200] =	vst v63  }
0xba: {  	v3 =	vld [tilespmem:$0xB0];
	_ =	sdelay $0x4  }
0xbb: {  	v43 =	vshrl.u32 v3, $0x3  }
0xbc: {  	v4 =	vmul.u32 $0x18, v43  }
0xbd: {  	v3 =	vand.u32 $0x7, v3  }
0xbe: {  	v3 =	vor.u32 v3, v4  }
0xbf: {  	v4 =	vperm.xlane v3, v0;
	_ =	sdelay $0x1  }
0xc0: {  	v3 =	vperm.xlane v3, v2;
	v4 =	vadd.s32 v1, v4;
	_ =	sdelay $0x1  }
0xc1: {  	v3 =	vadd.s32 v1, v3;
	_ =	sdelay $0x1  }
0xc2: {  	s21 =	simm.s32 $0x3200  }
0xc3: {  	[tilespmem:s21], [sflag:$0x1] =	stream.indirect_vreg.gather [hbm4b:s3+s2], $0x80, v4, vm0, $0xb8;
	[tilespmem:$0xC200] =	vst v63  }
0xc4: {  	s22 =	simm.s32 $0x3A00  }
0xc5: {  	[tilespmem:s22], [sflag:$0x1] =	stream.indirect_vreg.gather [hbm4b:s3+s2], $0x80, v3, vm0, $0xb8;
	[tilespmem:$0xC200] =	vst v63  }
0xc6: {  	s9 =	rddreg [dreg:$0x14]  }
0xc7: {  	[tilespmem:s19], [sflag:$0x3] =	stream.indirect.gather [hbm4b:s4+s16], $0x80, s9, s16, $0xb8;
	[tilespmem:$0xC200] =	vst v63  }
0xc8: {  	s10 =	rddreg [dreg:$0x6]  }
0xc9: {  	[hbm4b:s10+s29] =	stream.strided.scatter [tilespmem:s28], [sflag:$0x6], $0x4000, s30, s29, $0x38;
	[tilespmem:$0xC200] =	vst v63  }
0xca: {  	s22 =	rddreg [dreg:$0x7]  }
0xcb: {  	[hbm4b:s22+s31] =	stream.strided.scatter [tilespmem:s23], [sflag:$0x6], $0x2000, s30, s31, $0x38;
	[tilespmem:$0xC200] =	vst v63  }
0xcc: {  	_ =	swait.ge [sflag:s17], $0x4000  }
0xcd: {  	[sflag:s17] =	ssyncset.done $0x0  }
0xce: {  	[sflag:s17] =	ssyncadd.s32 $0xFFFFC000  }
0xcf: {  	_ =	swait.ge [sflag:s18], $0x2000  }
0xd0: {  	[sflag:s18] =	ssyncset.done $0x0  }
0xd1: {  	[sflag:s18] =	ssyncadd.s32 $0xFFFFE000  }
0xd2: {  	v3 =	vld [tilespmem:$0xC0];
	_ =	sdelay $0x4  }
0xd3: {  	v44 =	vshrl.u32 v3, $0x3  }
0xd4: {  	v4 =	vmul.u32 $0x18, v44  }
0xd5: {  	v3 =	vand.u32 $0x7, v3  }
0xd6: {  	v3 =	vor.u32 v3, v4  }
0xd7: {  	v4 =	vperm.xlane v3, v0;
	_ =	sdelay $0x1  }
0xd8: {  	v3 =	vperm.xlane v3, v2;
	v4 =	vadd.s32 v1, v4;
	_ =	sdelay $0x1  }
0xd9: {  	v3 =	vadd.s32 v1, v3;
	_ =	sdelay $0x2  }
0xda: {  	[tilespmem:s28], [sflag:$0x2] =	stream.indirect_vreg.gather [hbm4b:s3+s2], $0x80, v4, vm0, $0xb8;
	[tilespmem:$0xC200] =	vst v63  }
0xdb: {  	s22 =	simm.s32 $0x4A00  }
0xdc: {  	[tilespmem:s22], [sflag:$0x2] =	stream.indirect_vreg.gather [hbm4b:s3+s2], $0x80, v3, vm0, $0xb8;
	[tilespmem:$0xC200] =	vst v63  }
0xdd: {  	v3 =	vld [tilespmem:$0xD0];
	_ =	sdelay $0x4  }
0xde: {  	v45 =	vshrl.u32 v3, $0x3  }
0xdf: {  	v4 =	vmul.u32 $0x18, v45  }
0xe0: {  	v3 =	vand.u32 $0x7, v3  }
0xe1: {  	v3 =	vor.u32 v3, v4  }
0xe2: {  	v4 =	vperm.xlane v3, v0;
	_ =	sdelay $0x1  }
0xe3: {  	v3 =	vperm.xlane v3, v2;
	v4 =	vadd.s32 v1, v4;
	_ =	sdelay $0x1  }
0xe4: {  	v3 =	vadd.s32 v1, v3;
	_ =	sdelay $0x1  }
0xe5: {  	s24 =	simm.s32 $0x5200  }
0xe6: {  	[tilespmem:s24], [sflag:$0x2] =	stream.indirect_vreg.gather [hbm4b:s3+s2], $0x80, v4, vm0, $0xb8;
	[tilespmem:$0xC200] =	vst v63  }
0xe7: {  	s24 =	simm.s32 $0x5A00  }
0xe8: {  	[tilespmem:s24], [sflag:$0x2] =	stream.indirect_vreg.gather [hbm4b:s3+s2], $0x80, v3, vm0, $0xb8;
	[tilespmem:$0xC200] =	vst v63  }
0xe9: {  	v3 =	vld [tilespmem:$0xE0];
	_ =	sdelay $0x4  }
0xea: {  	v46 =	vshrl.u32 v3, $0x3  }
0xeb: {  	v4 =	vmul.u32 $0x18, v46  }
0xec: {  	v3 =	vand.u32 $0x7, v3  }
0xed: {  	v3 =	vor.u32 v3, v4  }
0xee: {  	v4 =	vperm.xlane v3, v0;
	_ =	sdelay $0x1  }
0xef: {  	v3 =	vperm.xlane v3, v2;
	v4 =	vadd.s32 v1, v4;
	_ =	sdelay $0x1  }
0xf0: {  	v3 =	vadd.s32 v1, v3;
	_ =	sdelay $0x1  }
0xf1: {  	s26 =	simm.s32 $0x6200  }
0xf2: {  	[tilespmem:s26], [sflag:$0x2] =	stream.indirect_vreg.gather [hbm4b:s3+s2], $0x80, v4, vm0, $0xb8;
	[tilespmem:$0xC200] =	vst v63  }
0xf3: {  	s25 =	simm.s32 $0x6A00  }
0xf4: {  	[tilespmem:s25], [sflag:$0x2] =	stream.indirect_vreg.gather [hbm4b:s3+s2], $0x80, v3, vm0, $0xb8;
	[tilespmem:$0xC200] =	vst v63  }
0xf5: {  	v3 =	vld [tilespmem:$0xF0];
	_ =	sdelay $0x4  }
0xf6: {  	v47 =	vshrl.u32 v3, $0x3  }
0xf7: {  	v4 =	vmul.u32 $0x18, v47  }
0xf8: {  	v3 =	vand.u32 $0x7, v3  }
0xf9: {  	v3 =	vor.u32 v3, v4  }
0xfa: {  	v4 =	vperm.xlane v3, v0;
	_ =	sdelay $0x1  }
0xfb: {  	v3 =	vperm.xlane v3, v2;
	v4 =	vadd.s32 v1, v4;
	_ =	sdelay $0x1  }
0xfc: {  	v3 =	vadd.s32 v1, v3;
	_ =	sdelay $0x1  }
0xfd: {  	s7 =	simm.s32 $0x7200  }
0xfe: {  	[tilespmem:s7], [sflag:$0x2] =	stream.indirect_vreg.gather [hbm4b:s3+s2], $0x80, v4, vm0, $0xb8;
	[tilespmem:$0xC200] =	vst v63  }
0xff: {  	s25 =	simm.s32 $0x7A00  }
0x100: {  	[tilespmem:s25], [sflag:$0x2] =	stream.indirect_vreg.gather [hbm4b:s3+s2], $0x80, v3, vm0, $0xb8;
	[tilespmem:$0xC200] =	vst v63  }
0x101: {  	s10 =	rddreg [dreg:$0x15]  }
0x102: {  	[tilespmem:s23], [sflag:$0x4] =	stream.indirect.gather [hbm4b:s4+s16], $0x80, s10, s16, $0xb8;
	[tilespmem:$0xC200] =	vst v63  }
0x103: {  	_ =	swait.ge [sflag:s6], $0x4000  }
0x104: {  	[sflag:s6] =	ssyncset.done $0x0  }
0x105: {  	[sflag:s6] =	ssyncadd.s32 $0xFFFFC000  }
0x106: {  	_ =	swait.ge [sflag:s6], $0x2000  }
0x107: {  	[sflag:s6] =	ssyncset.done $0x0  }
0x108: {  	s26 =	rddreg [dreg:$0x8];
	[sflag:s6] =	ssyncadd.s32 $0xFFFFE000  }
0x109: {  	[hbm4b:s26+s29] =	stream.strided.scatter [tilespmem:s15], [sflag:$0x5], $0x4000, s30, s29, $0x38;
	[tilespmem:$0xC200] =	vst v63  }
0x10a: {  	s7 =	rddreg [dreg:$0x9]  }
0x10b: {  	[hbm4b:s7+s31] =	stream.strided.scatter [tilespmem:s19], [sflag:$0x5], $0x2000, s30, s31, $0x38;
	[tilespmem:$0xC200] =	vst v63  }
0x10c: {  	_ =	swait.ge [sflag:s1], $0x4000  }
0x10d: {  	[sflag:s1] =	ssyncset.done $0x0  }
0x10e: {  	[sflag:s1] =	ssyncadd.s32 $0xFFFFC000  }
0x10f: {  	_ =	swait.ge [sflag:s0], $0x2000  }
0x110: {  	[sflag:s0] =	ssyncset.done $0x0  }
0x111: {  	[sflag:s0] =	ssyncadd.s32 $0xFFFFE000  }
0x112: {  	v3 =	vld [tilespmem:$0x100];
	_ =	sdelay $0x4  }
0x113: {  	v48 =	vshrl.u32 v3, $0x3  }
0x114: {  	v4 =	vmul.u32 $0x18, v48  }
0x115: {  	v3 =	vand.u32 $0x7, v3  }
0x116: {  	v3 =	vor.u32 v3, v4  }
0x117: {  	v4 =	vperm.xlane v3, v0;
	_ =	sdelay $0x1  }
0x118: {  	v3 =	vperm.xlane v3, v2;
	v4 =	vadd.s32 v1, v4;
	_ =	sdelay $0x1  }
0x119: {  	v3 =	vadd.s32 v1, v3;
	_ =	sdelay $0x2  }
0x11a: {  	[tilespmem:s15], [sflag:$0x1] =	stream.indirect_vreg.gather [hbm4b:s3+s2], $0x80, v4, vm0, $0xb8;
	[tilespmem:$0xC200] =	vst v63  }
0x11b: {  	_ = 	snop  }
0x11c: {  	[tilespmem:s11], [sflag:$0x1] =	stream.indirect_vreg.gather [hbm4b:s3+s2], $0x80, v3, vm0, $0xb8;
	[tilespmem:$0xC200] =	vst v63  }
0x11d: {  	v3 =	vld [tilespmem:$0x110];
	_ =	sdelay $0x4  }
0x11e: {  	v49 =	vshrl.u32 v3, $0x3  }
0x11f: {  	v4 =	vmul.u32 $0x18, v49  }
0x120: {  	v3 =	vand.u32 $0x7, v3  }
0x121: {  	v3 =	vor.u32 v3, v4  }
0x122: {  	v4 =	vperm.xlane v3, v0;
	_ =	sdelay $0x1  }
0x123: {  	v3 =	vperm.xlane v3, v2;
	v4 =	vadd.s32 v1, v4;
	_ =	sdelay $0x1  }
0x124: {  	v3 =	vadd.s32 v1, v3;
	_ =	sdelay $0x2  }
0x125: {  	[tilespmem:s12], [sflag:$0x1] =	stream.indirect_vreg.gather [hbm4b:s3+s2], $0x80, v4, vm0, $0xb8;
	[tilespmem:$0xC200] =	vst v63  }
0x126: {  	_ = 	snop  }
0x127: {  	[tilespmem:s13], [sflag:$0x1] =	stream.indirect_vreg.gather [hbm4b:s3+s2], $0x80, v3, vm0, $0xb8;
	[tilespmem:$0xC200] =	vst v63  }
0x128: {  	v3 =	vld [tilespmem:$0x120];
	_ =	sdelay $0x4  }
0x129: {  	v50 =	vshrl.u32 v3, $0x3  }
0x12a: {  	v4 =	vmul.u32 $0x18, v50  }
0x12b: {  	v3 =	vand.u32 $0x7, v3  }
0x12c: {  	v3 =	vor.u32 v3, v4  }
0x12d: {  	v4 =	vperm.xlane v3, v0;
	_ =	sdelay $0x1  }
0x12e: {  	v3 =	vperm.xlane v3, v2;
	v4 =	vadd.s32 v1, v4;
	_ =	sdelay $0x1  }
0x12f: {  	v3 =	vadd.s32 v1, v3;
	_ =	sdelay $0x2  }
0x130: {  	[tilespmem:s14], [sflag:$0x1] =	stream.indirect_vreg.gather [hbm4b:s3+s2], $0x80, v4, vm0, $0xb8;
	[tilespmem:$0xC200] =	vst v63  }
0x131: {  	_ = 	snop  }
0x132: {  	[tilespmem:s20], [sflag:$0x1] =	stream.indirect_vreg.gather [hbm4b:s3+s2], $0x80, v3, vm0, $0xb8;
	[tilespmem:$0xC200] =	vst v63  }
0x133: {  	v3 =	vld [tilespmem:$0x130];
	_ =	sdelay $0x4  }
0x134: {  	v51 =	vshrl.u32 v3, $0x3  }
0x135: {  	v4 =	vmul.u32 $0x18, v51  }
0x136: {  	v3 =	vand.u32 $0x7, v3  }
0x137: {  	v3 =	vor.u32 v3, v4  }
0x138: {  	v4 =	vperm.xlane v3, v0;
	_ =	sdelay $0x1  }
0x139: {  	v3 =	vperm.xlane v3, v2;
	v4 =	vadd.s32 v1, v4;
	_ =	sdelay $0x1  }
0x13a: {  	v3 =	vadd.s32 v1, v3;
	_ =	sdelay $0x2  }
0x13b: {  	[tilespmem:s21], [sflag:$0x1] =	stream.indirect_vreg.gather [hbm4b:s3+s2], $0x80, v4, vm0, $0xb8;
	[tilespmem:$0xC200] =	vst v63  }
0x13c: {  	s21 =	simm.s32 $0x3A00  }
0x13d: {  	[tilespmem:s21], [sflag:$0x1] =	stream.indirect_vreg.gather [hbm4b:s3+s2], $0x80, v3, vm0, $0xb8;
	[tilespmem:$0xC200] =	vst v63  }
0x13e: {  	s10 =	rddreg [dreg:$0x16]  }
0x13f: {  	[tilespmem:s19], [sflag:$0x3] =	stream.indirect.gather [hbm4b:s4+s16], $0x80, s10, s16, $0xb8;
	[tilespmem:$0xC200] =	vst v63  }
0x140: {  	_ =	swait.ge [sflag:s8], $0x4000  }
0x141: {  	[sflag:s8] =	ssyncset.done $0x0  }
0x142: {  	[sflag:s8] =	ssyncadd.s32 $0xFFFFC000  }
0x143: {  	_ =	swait.ge [sflag:s8], $0x2000  }
0x144: {  	[sflag:s8] =	ssyncset.done $0x0  }
0x145: {  	s10 =	rddreg [dreg:$0xa];
	[sflag:s8] =	ssyncadd.s32 $0xFFFFE000  }
0x146: {  	[hbm4b:s10+s29] =	stream.strided.scatter [tilespmem:s28], [sflag:$0x6], $0x4000, s30, s29, $0x38;
	[tilespmem:$0xC200] =	vst v63  }
0x147: {  	s21 =	rddreg [dreg:$0xb]  }
0x148: {  	[hbm4b:s21+s31] =	stream.strided.scatter [tilespmem:s23], [sflag:$0x6], $0x2000, s30, s31, $0x38;
	[tilespmem:$0xC200] =	vst v63  }
0x149: {  	_ =	swait.ge [sflag:s17], $0x4000  }
0x14a: {  	[sflag:s17] =	ssyncset.done $0x0  }
0x14b: {  	[sflag:s17] =	ssyncadd.s32 $0xFFFFC000  }
0x14c: {  	_ =	swait.ge [sflag:s18], $0x2000  }
0x14d: {  	[sflag:s18] =	ssyncset.done $0x0  }
0x14e: {  	[sflag:s18] =	ssyncadd.s32 $0xFFFFE000  }
0x14f: {  	v3 =	vld [tilespmem:$0x140];
	_ =	sdelay $0x4  }
0x150: {  	v52 =	vshrl.u32 v3, $0x3  }
0x151: {  	v4 =	vmul.u32 $0x18, v52  }
0x152: {  	v3 =	vand.u32 $0x7, v3  }
0x153: {  	v3 =	vor.u32 v3, v4  }
0x154: {  	v4 =	vperm.xlane v3, v0;
	_ =	sdelay $0x1  }
0x155: {  	v3 =	vperm.xlane v3, v2;
	v4 =	vadd.s32 v1, v4;
	_ =	sdelay $0x1  }
0x156: {  	v3 =	vadd.s32 v1, v3;
	_ =	sdelay $0x2  }
0x157: {  	[tilespmem:s28], [sflag:$0x2] =	stream.indirect_vreg.gather [hbm4b:s3+s2], $0x80, v4, vm0, $0xb8;
	[tilespmem:$0xC200] =	vst v63  }
0x158: {  	_ = 	snop  }
0x159: {  	[tilespmem:s22], [sflag:$0x2] =	stream.indirect_vreg.gather [hbm4b:s3+s2], $0x80, v3, vm0, $0xb8;
	[tilespmem:$0xC200] =	vst v63  }
0x15a: {  	v3 =	vld [tilespmem:$0x150];
	_ =	sdelay $0x4  }
0x15b: {  	v53 =	vshrl.u32 v3, $0x3  }
0x15c: {  	v4 =	vmul.u32 $0x18, v53  }
0x15d: {  	v3 =	vand.u32 $0x7, v3  }
0x15e: {  	v3 =	vor.u32 v3, v4  }
0x15f: {  	v4 =	vperm.xlane v3, v0;
	_ =	sdelay $0x1  }
0x160: {  	v3 =	vperm.xlane v3, v2;
	v4 =	vadd.s32 v1, v4;
	_ =	sdelay $0x1  }
0x161: {  	v3 =	vadd.s32 v1, v3;
	_ =	sdelay $0x1  }
0x162: {  	s22 =	simm.s32 $0x5200  }
0x163: {  	[tilespmem:s22], [sflag:$0x2] =	stream.indirect_vreg.gather [hbm4b:s3+s2], $0x80, v4, vm0, $0xb8;
	[tilespmem:$0xC200] =	vst v63  }
0x164: {  	_ = 	snop  }
0x165: {  	[tilespmem:s24], [sflag:$0x2] =	stream.indirect_vreg.gather [hbm4b:s3+s2], $0x80, v3, vm0, $0xb8;
	[tilespmem:$0xC200] =	vst v63  }
0x166: {  	v3 =	vld [tilespmem:$0x160];
	_ =	sdelay $0x4  }
0x167: {  	v54 =	vshrl.u32 v3, $0x3  }
0x168: {  	v4 =	vmul.u32 $0x18, v54  }
0x169: {  	v3 =	vand.u32 $0x7, v3  }
0x16a: {  	v3 =	vor.u32 v3, v4  }
0x16b: {  	v4 =	vperm.xlane v3, v0;
	_ =	sdelay $0x1  }
0x16c: {  	v3 =	vperm.xlane v3, v2;
	v4 =	vadd.s32 v1, v4;
	_ =	sdelay $0x1  }
0x16d: {  	v3 =	vadd.s32 v1, v3;
	_ =	sdelay $0x1  }
0x16e: {  	s10 =	simm.s32 $0x6200  }
0x16f: {  	[tilespmem:s10], [sflag:$0x2] =	stream.indirect_vreg.gather [hbm4b:s3+s2], $0x80, v4, vm0, $0xb8;
	[tilespmem:$0xC200] =	vst v63  }
0x170: {  	s21 =	simm.s32 $0x6A00  }
0x171: {  	[tilespmem:s21], [sflag:$0x2] =	stream.indirect_vreg.gather [hbm4b:s3+s2], $0x80, v3, vm0, $0xb8;
	[tilespmem:$0xC200] =	vst v63  }
0x172: {  	v3 =	vld [tilespmem:$0x170];
	_ =	sdelay $0x4  }
0x173: {  	v55 =	vshrl.u32 v3, $0x3  }
0x174: {  	v4 =	vmul.u32 $0x18, v55  }
0x175: {  	v3 =	vand.u32 $0x7, v3  }
0x176: {  	v3 =	vor.u32 v3, v4  }
0x177: {  	v4 =	vperm.xlane v3, v0;
	_ =	sdelay $0x1  }
0x178: {  	v3 =	vperm.xlane v3, v2;
	v4 =	vadd.s32 v1, v4;
	_ =	sdelay $0x1  }
0x179: {  	v3 =	vadd.s32 v1, v3;
	_ =	sdelay $0x1  }
0x17a: {  	s24 =	simm.s32 $0x7200  }
0x17b: {  	[tilespmem:s24], [sflag:$0x2] =	stream.indirect_vreg.gather [hbm4b:s3+s2], $0x80, v4, vm0, $0xb8;
	[tilespmem:$0xC200] =	vst v63  }
0x17c: {  	s25 =	simm.s32 $0x7A00  }
0x17d: {  	[tilespmem:s25], [sflag:$0x2] =	stream.indirect_vreg.gather [hbm4b:s3+s2], $0x80, v3, vm0, $0xb8;
	[tilespmem:$0xC200] =	vst v63  }
0x17e: {  	s10 =	rddreg [dreg:$0x17]  }
0x17f: {  	[tilespmem:s23], [sflag:$0x4] =	stream.indirect.gather [hbm4b:s4+s16], $0x80, s10, s16, $0xb8;
	[tilespmem:$0xC200] =	vst v63  }
0x180: {  	_ =	swait.ge [sflag:s6], $0x4000  }
0x181: {  	[sflag:s6] =	ssyncset.done $0x0  }
0x182: {  	[sflag:s6] =	ssyncadd.s32 $0xFFFFC000  }
0x183: {  	_ =	swait.ge [sflag:s6], $0x2000  }
0x184: {  	[sflag:s6] =	ssyncset.done $0x0  }
0x185: {  	s10 =	rddreg [dreg:$0xc];
	[sflag:s6] =	ssyncadd.s32 $0xFFFFE000  }
0x186: {  	[hbm4b:s10+s29] =	stream.strided.scatter [tilespmem:s15], [sflag:$0x5], $0x4000, s30, s29, $0x38;
	[tilespmem:$0xC200] =	vst v63  }
0x187: {  	s25 =	rddreg [dreg:$0xd]  }
0x188: {  	[hbm4b:s25+s31] =	stream.strided.scatter [tilespmem:s19], [sflag:$0x5], $0x2000, s30, s31, $0x38;
	[tilespmem:$0xC200] =	vst v63  }
0x189: {  	_ =	swait.ge [sflag:s1], $0x4000  }
0x18a: {  	[sflag:s1] =	ssyncset.done $0x0  }
0x18b: {  	[sflag:s1] =	ssyncadd.s32 $0xFFFFC000  }
0x18c: {  	_ =	swait.ge [sflag:s0], $0x2000  }
0x18d: {  	[sflag:s0] =	ssyncset.done $0x0  }
0x18e: {  	[sflag:s0] =	ssyncadd.s32 $0xFFFFE000  }
0x18f: {  	v3 =	vld [tilespmem:$0x180];
	_ =	sdelay $0x4  }
0x190: {  	v56 =	vshrl.u32 v3, $0x3  }
0x191: {  	v4 =	vmul.u32 $0x18, v56  }
0x192: {  	v3 =	vand.u32 $0x7, v3  }
0x193: {  	v3 =	vor.u32 v3, v4  }
0x194: {  	v4 =	vperm.xlane v3, v0;
	_ =	sdelay $0x1  }
0x195: {  	v3 =	vperm.xlane v3, v2;
	v4 =	vadd.s32 v1, v4;
	_ =	sdelay $0x1  }
0x196: {  	v3 =	vadd.s32 v1, v3;
	_ =	sdelay $0x2  }
0x197: {  	[tilespmem:s15], [sflag:$0x1] =	stream.indirect_vreg.gather [hbm4b:s3+s2], $0x80, v4, vm0, $0xb8;
	[tilespmem:$0xC200] =	vst v63  }
0x198: {  	s26 =	simm.s32 $0xA00  }
0x199: {  	[tilespmem:s26], [sflag:$0x1] =	stream.indirect_vreg.gather [hbm4b:s3+s2], $0x80, v3, vm0, $0xb8;
	[tilespmem:$0xC200] =	vst v63  }
0x19a: {  	v3 =	vld [tilespmem:$0x190];
	_ =	sdelay $0x4  }
0x19b: {  	v57 =	vshrl.u32 v3, $0x3  }
0x19c: {  	v4 =	vmul.u32 $0x18, v57  }
0x19d: {  	v3 =	vand.u32 $0x7, v3  }
0x19e: {  	v3 =	vor.u32 v3, v4  }
0x19f: {  	v4 =	vperm.xlane v3, v0;
	_ =	sdelay $0x1  }
0x1a0: {  	v3 =	vperm.xlane v3, v2;
	v4 =	vadd.s32 v1, v4;
	_ =	sdelay $0x1  }
0x1a1: {  	v3 =	vadd.s32 v1, v3;
	_ =	sdelay $0x1  }
0x1a2: {  	s11 =	simm.s32 $0x1200  }
0x1a3: {  	[tilespmem:s11], [sflag:$0x1] =	stream.indirect_vreg.gather [hbm4b:s3+s2], $0x80, v4, vm0, $0xb8;
	[tilespmem:$0xC200] =	vst v63  }
0x1a4: {  	s12 =	simm.s32 $0x1A00  }
0x1a5: {  	[tilespmem:s12], [sflag:$0x1] =	stream.indirect_vreg.gather [hbm4b:s3+s2], $0x80, v3, vm0, $0xb8;
	[tilespmem:$0xC200] =	vst v63  }
0x1a6: {  	v3 =	vld [tilespmem:$0x1A0];
	_ =	sdelay $0x4  }
0x1a7: {  	v58 =	vshrl.u32 v3, $0x3  }
0x1a8: {  	v4 =	vmul.u32 $0x18, v58  }
0x1a9: {  	v3 =	vand.u32 $0x7, v3  }
0x1aa: {  	v3 =	vor.u32 v3, v4  }
0x1ab: {  	v4 =	vperm.xlane v3, v0;
	_ =	sdelay $0x1  }
0x1ac: {  	v3 =	vperm.xlane v3, v2;
	v4 =	vadd.s32 v1, v4;
	_ =	sdelay $0x1  }
0x1ad: {  	v3 =	vadd.s32 v1, v3;
	_ =	sdelay $0x1  }
0x1ae: {  	s13 =	simm.s32 $0x2200  }
0x1af: {  	[tilespmem:s13], [sflag:$0x1] =	stream.indirect_vreg.gather [hbm4b:s3+s2], $0x80, v4, vm0, $0xb8;
	[tilespmem:$0xC200] =	vst v63  }
0x1b0: {  	s14 =	simm.s32 $0x2A00  }
0x1b1: {  	[tilespmem:s14], [sflag:$0x1] =	stream.indirect_vreg.gather [hbm4b:s3+s2], $0x80, v3, vm0, $0xb8;
	[tilespmem:$0xC200] =	vst v63  }
0x1b2: {  	v3 =	vld [tilespmem:$0x1B0];
	_ =	sdelay $0x4  }
0x1b3: {  	v59 =	vshrl.u32 v3, $0x3  }
0x1b4: {  	v4 =	vmul.u32 $0x18, v59  }
0x1b5: {  	v3 =	vand.u32 $0x7, v3  }
0x1b6: {  	v3 =	vor.u32 v3, v4  }
0x1b7: {  	v4 =	vperm.xlane v3, v0;
	_ =	sdelay $0x1  }
0x1b8: {  	v3 =	vperm.xlane v3, v2;
	v4 =	vadd.s32 v1, v4;
	_ =	sdelay $0x1  }
0x1b9: {  	v3 =	vadd.s32 v1, v3;
	_ =	sdelay $0x1  }
0x1ba: {  	s20 =	simm.s32 $0x3200  }
0x1bb: {  	[tilespmem:s20], [sflag:$0x1] =	stream.indirect_vreg.gather [hbm4b:s3+s2], $0x80, v4, vm0, $0xb8;
	[tilespmem:$0xC200] =	vst v63  }
0x1bc: {  	s26 =	simm.s32 $0x3A00  }
0x1bd: {  	[tilespmem:s26], [sflag:$0x1] =	stream.indirect_vreg.gather [hbm4b:s3+s2], $0x80, v3, vm0, $0xb8;
	[tilespmem:$0xC200] =	vst v63  }
0x1be: {  	s25 =	rddreg [dreg:$0x18]  }
0x1bf: {  	[tilespmem:s19], [sflag:$0x3] =	stream.indirect.gather [hbm4b:s4+s16], $0x80, s25, s16, $0xb8;
	[tilespmem:$0xC200] =	vst v63  }
0x1c0: {  	_ =	swait.ge [sflag:s8], $0x4000  }
0x1c1: {  	[sflag:s8] =	ssyncset.done $0x0  }
0x1c2: {  	[sflag:s8] =	ssyncadd.s32 $0xFFFFC000  }
0x1c3: {  	_ =	swait.ge [sflag:s8], $0x2000  }
0x1c4: {  	[sflag:s8] =	ssyncset.done $0x0  }
0x1c5: {  	s10 =	rddreg [dreg:$0xe];
	[sflag:s8] =	ssyncadd.s32 $0xFFFFE000  }
0x1c6: {  	[hbm4b:s10+s29] =	stream.strided.scatter [tilespmem:s28], [sflag:$0x6], $0x4000, s30, s29, $0x38;
	[tilespmem:$0xC200] =	vst v63  }
0x1c7: {  	s11 =	rddreg [dreg:$0xf]  }
0x1c8: {  	[hbm4b:s11+s31] =	stream.strided.scatter [tilespmem:s23], [sflag:$0x6], $0x2000, s30, s31, $0x38;
	[tilespmem:$0xC200] =	vst v63  }
0x1c9: {  	_ =	swait.ge [sflag:s17], $0x4000  }
0x1ca: {  	[sflag:s17] =	ssyncset.done $0x0  }
0x1cb: {  	[sflag:s17] =	ssyncadd.s32 $0xFFFFC000  }
0x1cc: {  	_ =	swait.ge [sflag:s18], $0x2000  }
0x1cd: {  	[sflag:s18] =	ssyncset.done $0x0  }
0x1ce: {  	[sflag:s18] =	ssyncadd.s32 $0xFFFFE000  }
0x1cf: {  	v3 =	vld [tilespmem:$0x1C0];
	_ =	sdelay $0x4  }
0x1d0: {  	v60 =	vshrl.u32 v3, $0x3  }
0x1d1: {  	v4 =	vmul.u32 $0x18, v60  }
0x1d2: {  	v3 =	vand.u32 $0x7, v3  }
0x1d3: {  	v3 =	vor.u32 v3, v4  }
0x1d4: {  	v4 =	vperm.xlane v3, v0;
	_ =	sdelay $0x1  }
0x1d5: {  	v3 =	vperm.xlane v3, v2;
	v4 =	vadd.s32 v1, v4;
	_ =	sdelay $0x1  }
0x1d6: {  	v3 =	vadd.s32 v1, v3;
	_ =	sdelay $0x2  }
0x1d7: {  	[tilespmem:s28], [sflag:$0x2] =	stream.indirect_vreg.gather [hbm4b:s3+s2], $0x80, v4, vm0, $0xb8;
	[tilespmem:$0xC200] =	vst v63  }
0x1d8: {  	s7 =	simm.s32 $0x4A00  }
0x1d9: {  	[tilespmem:s7], [sflag:$0x2] =	stream.indirect_vreg.gather [hbm4b:s3+s2], $0x80, v3, vm0, $0xb8;
	[tilespmem:$0xC200] =	vst v63  }
0x1da: {  	v3 =	vld [tilespmem:$0x1D0];
	_ =	sdelay $0x4  }
0x1db: {  	v61 =	vshrl.u32 v3, $0x3  }
0x1dc: {  	v4 =	vmul.u32 $0x18, v61  }
0x1dd: {  	v3 =	vand.u32 $0x7, v3  }
0x1de: {  	v3 =	vor.u32 v3, v4  }
0x1df: {  	v4 =	vperm.xlane v3, v0;
	_ =	sdelay $0x1  }
0x1e0: {  	v3 =	vperm.xlane v3, v2;
	v4 =	vadd.s32 v1, v4;
	_ =	sdelay $0x1  }
0x1e1: {  	v3 =	vadd.s32 v1, v3;
	_ =	sdelay $0x1  }
0x1e2: {  	s12 =	simm.s32 $0x5200  }
0x1e3: {  	[tilespmem:s12], [sflag:$0x2] =	stream.indirect_vreg.gather [hbm4b:s3+s2], $0x80, v4, vm0, $0xb8;
	[tilespmem:$0xC200] =	vst v63  }
0x1e4: {  	s22 =	simm.s32 $0x5A00  }
0x1e5: {  	[tilespmem:s22], [sflag:$0x2] =	stream.indirect_vreg.gather [hbm4b:s3+s2], $0x80, v3, vm0, $0xb8;
	[tilespmem:$0xC200] =	vst v63  }
0x1e6: {  	v3 =	vld [tilespmem:$0x1E0];
	_ =	sdelay $0x4  }
0x1e7: {  	v62 =	vshrl.u32 v3, $0x3  }
0x1e8: {  	v4 =	vmul.u32 $0x18, v62  }
0x1e9: {  	v3 =	vand.u32 $0x7, v3  }
0x1ea: {  	v3 =	vor.u32 v3, v4  }
0x1eb: {  	v4 =	vperm.xlane v3, v0;
	_ =	sdelay $0x1  }
0x1ec: {  	v3 =	vperm.xlane v3, v2;
	v4 =	vadd.s32 v1, v4;
	_ =	sdelay $0x1  }
0x1ed: {  	v3 =	vadd.s32 v1, v3;
	_ =	sdelay $0x1  }
0x1ee: {  	s13 =	simm.s32 $0x6200  }
0x1ef: {  	[tilespmem:s13], [sflag:$0x2] =	stream.indirect_vreg.gather [hbm4b:s3+s2], $0x80, v4, vm0, $0xb8;
	[tilespmem:$0xC200] =	vst v63  }
0x1f0: {  	s14 =	simm.s32 $0x6A00  }
0x1f1: {  	[tilespmem:s14], [sflag:$0x2] =	stream.indirect_vreg.gather [hbm4b:s3+s2], $0x80, v3, vm0, $0xb8;
	[tilespmem:$0xC200] =	vst v63  }
0x1f2: {  	v3 =	vld [tilespmem:$0x1F0];
	_ =	sdelay $0x4  }
0x1f3: {  	v63 =	vshrl.u32 v3, $0x3  }
0x1f4: {  	v4 =	vmul.u32 $0x18, v63  }
0x1f5: {  	v3 =	vand.u32 $0x7, v3  }
0x1f6: {  	v3 =	vor.u32 v3, v4  }
0x1f7: {  	v4 =	vperm.xlane v3, v0;
	_ =	sdelay $0x1  }
0x1f8: {  	v3 =	vperm.xlane v3, v2;
	v4 =	vadd.s32 v1, v4;
	_ =	sdelay $0x1  }
0x1f9: {  	v3 =	vadd.s32 v1, v3;
	_ =	sdelay $0x1  }
0x1fa: {  	s24 =	simm.s32 $0x7200  }
0x1fb: {  	[tilespmem:s24], [sflag:$0x2] =	stream.indirect_vreg.gather [hbm4b:s3+s2], $0x80, v4, vm0, $0xb8;
	[tilespmem:$0xC200] =	vst v63  }
0x1fc: {  	s21 =	simm.s32 $0x7A00  }
0x1fd: {  	[tilespmem:s21], [sflag:$0x2] =	stream.indirect_vreg.gather [hbm4b:s3+s2], $0x80, v3, vm0, $0xb8;
	[tilespmem:$0xC200] =	vst v63  }
0x1fe: {  	s20 =	rddreg [dreg:$0x19]  }
0x1ff: {  	[tilespmem:s23], [sflag:$0x4] =	stream.indirect.gather [hbm4b:s4+s16], $0x80, s20, s16, $0xb8;
	[tilespmem:$0xC200] =	vst v63  }
0x200: {  	_ =	swait.ge [sflag:s6], $0x4000  }
0x201: {  	[sflag:s6] =	ssyncset.done $0x0  }
0x202: {  	[sflag:s6] =	ssyncadd.s32 $0xFFFFC000  }
0x203: {  	_ =	swait.ge [sflag:s6], $0x2000  }
0x204: {  	[sflag:s6] =	ssyncset.done $0x0  }
0x205: {  	s22 =	rddreg [dreg:$0x10];
	[sflag:s6] =	ssyncadd.s32 $0xFFFFE000  }
0x206: {  	[hbm4b:s22+s29] =	stream.strided.scatter [tilespmem:s15], [sflag:$0x5], $0x4000, s30, s29, $0x38;
	[tilespmem:$0xC200] =	vst v63  }
0x207: {  	s24 =	rddreg [dreg:$0x11]  }
0x208: {  	[hbm4b:s24+s31] =	stream.strided.scatter [tilespmem:s19], [sflag:$0x5], $0x2000, s30, s31, $0x38;
	[tilespmem:$0xC200] =	vst v63  }
0x209: {  	_ =	swait.ge [sflag:s1], $0x4000  }
0x20a: {  	[sflag:s1] =	ssyncset.done $0x0  }
0x20b: {  	[sflag:s1] =	ssyncadd.s32 $0xFFFFC000  }
0x20c: {  	_ =	swait.ge [sflag:s0], $0x2000  }
0x20d: {  	[sflag:s0] =	ssyncset.done $0x0  }
0x20e: {  	[sflag:s0] =	ssyncadd.s32 $0xFFFFE000  }
0x20f: {  	_ =	swait.ge [sflag:s8], $0x4000  }
0x210: {  	[sflag:s8] =	ssyncset.done $0x0  }
0x211: {  	[sflag:s8] =	ssyncadd.s32 $0xFFFFC000  }
0x212: {  	_ =	swait.ge [sflag:s8], $0x2000  }
0x213: {  	[sflag:s8] =	ssyncset.done $0x0  }
0x214: {  	s25 =	rddreg [dreg:$0x12];
	[sflag:s8] =	ssyncadd.s32 $0xFFFFE000  }
0x215: {  	[hbm4b:s25+s29] =	stream.strided.scatter [tilespmem:s28], [sflag:$0x6], $0x4000, s30, s29, $0x38;
	[tilespmem:$0xC200] =	vst v63  }
0x216: {  	s26 =	rddreg [dreg:$0x13]  }
0x217: {  	[hbm4b:s26+s31] =	stream.strided.scatter [tilespmem:s23], [sflag:$0x6], $0x2000, s30, s31, $0x38;
	[tilespmem:$0xC200] =	vst v63  }
0x218: {  	_ =	swait.ge [sflag:s6], $0x4000  }
0x219: {  	[sflag:s6] =	ssyncset.done $0x0  }
0x21a: {  	[sflag:s6] =	ssyncadd.s32 $0xFFFFC000  }
0x21b: {  	_ =	swait.ge [sflag:s6], $0x2000  }
0x21c: {  	[sflag:s6] =	ssyncset.done $0x0  }
0x21d: {  	[sflag:s6] =	ssyncadd.s32 $0xFFFFE000  }
0x21e: {  	p0 =	sne.s32 s5, $0x1;
	_ =	swait.ge [sflag:s8], $0x4000  }
.Ltmp0:
0x21f: {  	[sflag:s8] =	ssyncset.done $0x0;
	(pc) =	sbr.rel @p0 .LBB2_1-.Ltmp0, $4  }
0x220: {  	[sflag:s8] =	ssyncadd.s32 $0xFFFFC000  }
0x221: {  	_ =	swait.ge [sflag:s8], $0x2000  }
0x222: {  	[sflag:s8] =	ssyncset.done $0x0  }
0x223: {  	s5 =	sadd.s32 $0xFFFFFFFF, s5;
	[sflag:s8] =	ssyncadd.s32 $0xFFFFE000  }
0x224: {  	_ =	sfence.sel $0x180000  }
0x225: {  	[bflag:$0x0] =	sbarrier.arrive $0xFFFF  }
0x226: {  	_ =	strace $0x90000047  }
0x227: {  	s0 =	stileid.u32;
	[bflag:$0x2] =	sbarrier.arrive $0xFFFF  }
0x228: {  	p0 =	sne.s32 s0, $0x0;
	s0 =	rddreg [dreg:$0x2]  }
0x229: {  	s0 =	sadd.s32 @!p0 $0x100000, s0  }
0x22a: {  	[sflag:s0] =	ssyncadd.tile.s32 @!p0 $0x1;
	_ =	shalt  }
.Lfunc_end2:
_tile_overlayer_lowered:
.L_overlay_start_2:
0x22b: {  	(tag) =	ssettag $0x2  }
0x22c: {  	s0 =	rddreg [dreg:$0x0];
	s2 =	stileid.u32  }
0x22d: {  	s1 =	rddreg [dreg:$0x1];
	p0 =	sne.s32 s2, $0x0  }
0x22e: {  	s3 =	rddreg [dreg:$0x2];
	[bflag:$0x3] =	sbarrier.arrive $0xFFFF;
	s2 =	simm.s32 @!p0 $0x1C07  }
0x22f: {  	[timem:s3], [sflag:s2] =	dma.local @!p0 [hbm:s0], s1  }
0x230: {  	s0 =	simm.s32 @!p0 $0x7  }
0x231: {  	_ =	swait.ge @!p0 [sflag:s0], s1  }
0x232: {  	s1 =	ssub.s32 @!p0 $0x0, s1;
	[sflag:s0] =	ssyncset.done @!p0 $0x0  }
0x233: {  	[sflag:s0] =	ssyncadd.s32 @!p0 s1  }
0x234: {  	[bflag:$0x3] =	sbarrier.arrive $0xFFFF  }
0x235: {  	_ =	shalt  }

</sc_bundles>
